<compile_context>
chip_gen: v7x
topology: tpu7x:2x2x1
jax: 0.10.2.dev20260603
libtpu: 0.0.44.dev20260713+nightly
codegen_flags: <defaults>
</compile_context>

<pallas_src>
import jax
import jax.numpy as jnp
from jax import lax
from jax.experimental import pallas as pl
from jax.experimental.pallas import tpu as pltpu
from jax.experimental.pallas import tpu_sc as plsc

N_CATS = 26
N_PLAIN = 22
N_TABLES = 23
VOCAB = 100000
DIM = 32
B, T = 1024, 50
GROUP_COLS = (22, 23, 24, 25)

NC, NS = 2, 16
NW = NC * NS
POS = B * T
CHUNK = POS // NW


def _body(xb_hbm, tbl_hbm, *refs):
    outs = refs[:N_TABLES]
    ib0, ib1, ra, rb, isem, gsem, wsem = refs[N_TABLES:]
    ib = (ib0, ib1)
    rows = (ra, rb)
    wid = lax.axis_index("s") * NC + lax.axis_index("c")
    base = wid * CHUNK

    def start_idx(f):
        return pltpu.async_copy(
            xb_hbm.at[pl.ds(f * POS + base, CHUNK)], ib[f % 2], isem)

    def gslot(f):
        return 1 if f > N_PLAIN else f % 2

    def start_gather(f):
        return pltpu.async_copy(tbl_hbm.at[ib[f % 2]], rows[gslot(f)], gsem)

    def start_wb(f):
        return pltpu.async_copy(
            rows[f % 2], outs[f].at[pl.ds(base, CHUNK)], wsem)

    g, w, di = {}, {}, {}
    start_idx(0).wait()
    g[0] = start_gather(0)
    di[1] = start_idx(1)
    for f in range(N_PLAIN + 1):
        g[f].wait()
        if f + 1 < N_CATS:
            di[f + 1].wait()
            if f >= 1 and f - 1 < N_PLAIN:
                w[f - 1].wait()
            g[f + 1] = start_gather(f + 1)
        if f + 2 < N_CATS:
            di[f + 2] = start_idx(f + 2)
        if f < N_PLAIN:
            w[f] = start_wb(f)

    def add_row(i, _):
        for k in range(DIM // 16):
            sl = pl.ds(k * 16, 16)
            ra[i, sl] = ra[i, sl] + rb[i, sl]
        return 0

    for f in range(N_PLAIN + 1, N_CATS):
        g[f].wait()
        if f + 2 < N_CATS:
            di[f + 2] = start_idx(f + 2)
        lax.fori_loop(0, CHUNK, add_row, 0)
        if f + 1 < N_CATS:
            di[f + 1].wait()
            g[f + 1] = start_gather(f + 1)
    pltpu.sync_copy(ra, outs[N_PLAIN].at[pl.ds(base, CHUNK)])


@jax.jit
def kernel(x, tables):
    xb = jnp.transpose(x, (2, 1, 0)).reshape(N_CATS, POS)
    tid = jnp.array(list(range(N_PLAIN)) + [N_PLAIN] * 4, dtype=jnp.int32)
    xb = (xb + tid[:, None] * VOCAB).reshape(-1)
    tbl = tables.reshape(N_TABLES * VOCAB, DIM)

    mesh = plsc.VectorSubcoreMesh(core_axis_name="c", subcore_axis_name="s")
    out_type = tuple(
        jax.ShapeDtypeStruct((POS, DIM), jnp.float32) for _ in range(N_TABLES)
    )
    outs = pl.kernel(
        _body,
        out_type=out_type,
        mesh=mesh,
        scratch_types=[
            pltpu.VMEM((CHUNK,), jnp.int32),
            pltpu.VMEM((CHUNK,), jnp.int32),
            pltpu.VMEM((CHUNK, DIM), jnp.float32),
            pltpu.VMEM((CHUNK, DIM), jnp.float32),
            pltpu.SemaphoreType.DMA,
            pltpu.SemaphoreType.DMA,
            pltpu.SemaphoreType.DMA,
        ],
        compiler_params=pltpu.CompilerParams(use_tc_tiling_on_sc=False),
    )(xb, tbl)
    return tuple(
        o.reshape(T, B, DIM).transpose(1, 0, 2) for o in outs
    )

# --- scband reference (transcript-rebuilt; emitter-appended) ---
"""Pipeline reference for scband-multi-embedding-19481971654721 (READ-ONLY COPY).

The authoritative reference and input builder live on the scoring server;
editing this copy changes nothing except your own understanding.
"""

import jax, jax.numpy as jnp
import numpy as np

N_CATS = 26
N_PLAIN = 22
N_TABLES = 23  # 22 plain embeddings + 1 grouped EmbeddingBag table
VOCAB = 100000
DIM = 32
B, T = 1024, 50
GROUP_COLS = [22, 23, 24, 25]


def setup_inputs(seed: int = 0) -> dict:
    key = jax.random.key(seed)
    k1, k2 = jax.random.split(key)
    x = jax.random.randint(k1, (B, T, N_CATS), 0, VOCAB, dtype=jnp.int32)
    tables = jax.random.normal(k2, (N_TABLES, VOCAB, DIM), dtype=jnp.float32)
    # cat_0 has padding_idx=0 -> torch initializes that row to zero
    tables = tables.at[0, 0].set(0.0)
    return {"x": x, "tables": tables}


def reference(x, tables):
    # MultiEmbedding.forward: dict of per-name embeddings.
    # Plain nn.Embedding for cat_0..cat_21, TimeDistributedEmbeddingBag(mode='sum',
    # batch_first=True) for group_0 over cat_22..cat_25.
    outs = []
    for i in range(N_PLAIN):
        outs.append(jnp.take(tables[i], x[..., i], axis=0))  # [B, T, DIM]
    g = x[..., jnp.array(GROUP_COLS)]            # [B, T, 4]
    emb = jnp.take(tables[N_PLAIN], g, axis=0)   # [B, T, 4, DIM]
    outs.append(jnp.sum(emb, axis=-2))           # EmbeddingBag mode='sum' -> [B, T, DIM]
    return tuple(outs)

if __name__ == "__main__":
    import jax
    _d = setup_inputs()
    print(jax.jit(kernel)(*tuple(_d.values())))

</pallas_src>

<mosaic_0001>
#map = affine_map<(d0, d1) -> (0)>
#map1 = affine_map<(d0, d1) -> (0, 0)>
module attributes {stable_mosaic.version = 14 : i64} {
  func.func @_body(%arg0: i32, %arg1: i32, %arg2: memref<1331200xi32, #tpu.memory_space<hbm>>, %arg3: memref<2300000x32xf32, #tpu.memory_space<hbm>>, %arg4: memref<51200x32xf32, #tpu.memory_space<hbm>>, %arg5: memref<51200x32xf32, #tpu.memory_space<hbm>>, %arg6: memref<51200x32xf32, #tpu.memory_space<hbm>>, %arg7: memref<51200x32xf32, #tpu.memory_space<hbm>>, %arg8: memref<51200x32xf32, #tpu.memory_space<hbm>>, %arg9: memref<51200x32xf32, #tpu.memory_space<hbm>>, %arg10: memref<51200x32xf32, #tpu.memory_space<hbm>>, %arg11: memref<51200x32xf32, #tpu.memory_space<hbm>>, %arg12: memref<51200x32xf32, #tpu.memory_space<hbm>>, %arg13: memref<51200x32xf32, #tpu.memory_space<hbm>>, %arg14: memref<51200x32xf32, #tpu.memory_space<hbm>>, %arg15: memref<51200x32xf32, #tpu.memory_space<hbm>>, %arg16: memref<51200x32xf32, #tpu.memory_space<hbm>>, %arg17: memref<51200x32xf32, #tpu.memory_space<hbm>>, %arg18: memref<51200x32xf32, #tpu.memory_space<hbm>>, %arg19: memref<51200x32xf32, #tpu.memory_space<hbm>>, %arg20: memref<51200x32xf32, #tpu.memory_space<hbm>>, %arg21: memref<51200x32xf32, #tpu.memory_space<hbm>>, %arg22: memref<51200x32xf32, #tpu.memory_space<hbm>>, %arg23: memref<51200x32xf32, #tpu.memory_space<hbm>>, %arg24: memref<51200x32xf32, #tpu.memory_space<hbm>>, %arg25: memref<51200x32xf32, #tpu.memory_space<hbm>>, %arg26: memref<51200x32xf32, #tpu.memory_space<hbm>>, %arg27: memref<1600xi32, #tpu.memory_space<vmem>>, %arg28: memref<1600xi32, #tpu.memory_space<vmem>>, %arg29: memref<1600x32xf32, #tpu.memory_space<vmem>>, %arg30: memref<1600x32xf32, #tpu.memory_space<vmem>>, %arg31: memref<!tpu.dma_semaphore, #tpu.memory_space<semaphore_mem>>, %arg32: memref<!tpu.dma_semaphore, #tpu.memory_space<semaphore_mem>>, %arg33: memref<!tpu.dma_semaphore, #tpu.memory_space<semaphore_mem>>) attributes {dimension_semantics = [#tpu.dimension_semantics<core_parallel>, #tpu.dimension_semantics<subcore_parallel>], iteration_bounds = array<i64: 2, 16>, scalar_prefetch = 0 : i64, scratch_operands = 7 : i64, tpu.core_type = #tpu.core_type<sc_vector_subcore>, window_params = [{transform_indices = #map}, {transform_indices = #map1}, {transform_indices = #map1}, {transform_indices = #map1}, {transform_indices = #map1}, {transform_indices = #map1}, {transform_indices = #map1}, {transform_indices = #map1}, {transform_indices = #map1}, {transform_indices = #map1}, {transform_indices = #map1}, {transform_indices = #map1}, {transform_indices = #map1}, {transform_indices = #map1}, {transform_indices = #map1}, {transform_indices = #map1}, {transform_indices = #map1}, {transform_indices = #map1}, {transform_indices = #map1}, {transform_indices = #map1}, {transform_indices = #map1}, {transform_indices = #map1}, {transform_indices = #map1}, {transform_indices = #map1}, {transform_indices = #map1}]} {
    %mul3A = arith.constant 2 : i32
    %mul3A_0 = arith.muli %arg1, %mul3A : i32
    %add3A = arith.addi %mul3A_0, %arg0 : i32
    %mul3A_1 = arith.constant 1600 : i32
    %mul3A_2 = arith.muli %add3A, %mul3A_1 : i32
    %add3A_3 = arith.constant 0 : i32
    %add3A_4 = arith.addi %add3A_3, %mul3A_2 : i32
    %dma_start3A = tpu.memref_slice %arg2[%add3A_4] : memref<1331200xi32, #tpu.memory_space<hbm>> -> memref<1600xi32, #tpu.memory_space<hbm>>
    %dma_start3A_5 = tpu.memref_slice %arg2[%add3A_4] : memref<1331200xi32, #tpu.memory_space<hbm>> -> memref<1600xi32, #tpu.memory_space<hbm>>
    tpu.enqueue_dma source(%dma_start3A_5 : memref<1600xi32, #tpu.memory_space<hbm>>) target(%arg27 : memref<1600xi32, #tpu.memory_space<vmem>>) target_semaphore(%arg31 : memref<!tpu.dma_semaphore, #tpu.memory_space<semaphore_mem>>)
    %dma_wait3A = tpu.memref_slice %arg2[%add3A_4] : memref<1331200xi32, #tpu.memory_space<hbm>> -> memref<1600xi32, #tpu.memory_space<hbm>>
    %dma_wait3A_6 = tpu.memref_slice %arg2[%add3A_4] : memref<1331200xi32, #tpu.memory_space<hbm>> -> memref<1600xi32, #tpu.memory_space<hbm>>
    tpu.wait_dma2 semaphore(%arg31 : memref<!tpu.dma_semaphore, #tpu.memory_space<semaphore_mem>>) src(%dma_wait3A_6 : memref<1600xi32, #tpu.memory_space<hbm>>) dst(%arg27 : memref<1600xi32, #tpu.memory_space<vmem>>)
    %dma_start3A_7 = arith.constant 0 : i32
    %dma_start3A_8 = arith.constant 0 : i32
    %dma_start3A_9 = tpu.memref_slice %arg3[%dma_start3A_7, %dma_start3A_8] : memref<2300000x32xf32, #tpu.memory_space<hbm>> -> memref<2300000x32xf32, #tpu.memory_space<hbm>>
    tpu.enqueue_indirect_dma source(%dma_start3A_9 : memref<2300000x32xf32, #tpu.memory_space<hbm>>) target(%arg29 : memref<1600x32xf32, #tpu.memory_space<vmem>>) offsets(%arg27 : memref<1600xi32, #tpu.memory_space<vmem>>) semaphore(%arg32 : memref<!tpu.dma_semaphore, #tpu.memory_space<semaphore_mem>>)
    %add3A_10 = arith.constant 51200 : i32
    %add3A_11 = arith.addi %add3A_10, %mul3A_2 : i32
    %dma_start3A_12 = tpu.memref_slice %arg2[%add3A_11] : memref<1331200xi32, #tpu.memory_space<hbm>> -> memref<1600xi32, #tpu.memory_space<hbm>>
    %dma_start3A_13 = tpu.memref_slice %arg2[%add3A_11] : memref<1331200xi32, #tpu.memory_space<hbm>> -> memref<1600xi32, #tpu.memory_space<hbm>>
    tpu.enqueue_dma source(%dma_start3A_13 : memref<1600xi32, #tpu.memory_space<hbm>>) target(%arg28 : memref<1600xi32, #tpu.memory_space<vmem>>) target_semaphore(%arg31 : memref<!tpu.dma_semaphore, #tpu.memory_space<semaphore_mem>>)
    %dma_wait3A_14 = arith.constant 0 : i32
    %dma_wait3A_15 = arith.constant 0 : i32
    %dma_wait3A_16 = tpu.memref_slice %arg3[%dma_wait3A_14, %dma_wait3A_15] : memref<2300000x32xf32, #tpu.memory_space<hbm>> -> memref<2300000x32xf32, #tpu.memory_space<hbm>>
    tpu.wait_indirect_dma semaphore(%arg32 : memref<!tpu.dma_semaphore, #tpu.memory_space<semaphore_mem>>) src(%dma_wait3A_16 : memref<2300000x32xf32, #tpu.memory_space<hbm>>) dst(%arg29 : memref<1600x32xf32, #tpu.memory_space<vmem>>)
    %dma_wait3A_17 = tpu.memref_slice %arg2[%add3A_11] : memref<1331200xi32, #tpu.memory_space<hbm>> -> memref<1600xi32, #tpu.memory_space<hbm>>
    %dma_wait3A_18 = tpu.memref_slice %arg2[%add3A_11] : memref<1331200xi32, #tpu.memory_space<hbm>> -> memref<1600xi32, #tpu.memory_space<hbm>>
    tpu.wait_dma2 semaphore(%arg31 : memref<!tpu.dma_semaphore, #tpu.memory_space<semaphore_mem>>) src(%dma_wait3A_18 : memref<1600xi32, #tpu.memory_space<hbm>>) dst(%arg28 : memref<1600xi32, #tpu.memory_space<vmem>>)
    %dma_start3A_19 = arith.constant 0 : i32
    %dma_start3A_20 = arith.constant 0 : i32
    %dma_start3A_21 = tpu.memref_slice %arg3[%dma_start3A_19, %dma_start3A_20] : memref<2300000x32xf32, #tpu.memory_space<hbm>> -> memref<2300000x32xf32, #tpu.memory_space<hbm>>
    tpu.enqueue_indirect_dma source(%dma_start3A_21 : memref<2300000x32xf32, #tpu.memory_space<hbm>>) target(%arg30 : memref<1600x32xf32, #tpu.memory_space<vmem>>) offsets(%arg28 : memref<1600xi32, #tpu.memory_space<vmem>>) semaphore(%arg32 : memref<!tpu.dma_semaphore, #tpu.memory_space<semaphore_mem>>)
    %add3A_22 = arith.constant 102400 : i32
    %add3A_23 = arith.addi %add3A_22, %mul3A_2 : i32
    %dma_start3A_24 = tpu.memref_slice %arg2[%add3A_23] : memref<1331200xi32, #tpu.memory_space<hbm>> -> memref<1600xi32, #tpu.memory_space<hbm>>
    %dma_start3A_25 = tpu.memref_slice %arg2[%add3A_23] : memref<1331200xi32, #tpu.memory_space<hbm>> -> memref<1600xi32, #tpu.memory_space<hbm>>
    tpu.enqueue_dma source(%dma_start3A_25 : memref<1600xi32, #tpu.memory_space<hbm>>) target(%arg27 : memref<1600xi32, #tpu.memory_space<vmem>>) target_semaphore(%arg31 : memref<!tpu.dma_semaphore, #tpu.memory_space<semaphore_mem>>)
    %dma_start3A_26 = arith.constant 0 : i32
    %dma_start3A_27 = tpu.memref_slice %arg4[%mul3A_2, %dma_start3A_26] : memref<51200x32xf32, #tpu.memory_space<hbm>> -> memref<1600x32xf32, #tpu.memory_space<hbm>>
    %dma_start3A_28 = arith.constant 0 : i32
    %dma_start3A_29 = tpu.memref_slice %arg4[%mul3A_2, %dma_start3A_28] : memref<51200x32xf32, #tpu.memory_space<hbm>> -> memref<1600x32xf32, #tpu.memory_space<hbm>>
    tpu.enqueue_dma source(%arg29 : memref<1600x32xf32, #tpu.memory_space<vmem>>) target(%dma_start3A_29 : memref<1600x32xf32, #tpu.memory_space<hbm>>) target_semaphore(%arg33 : memref<!tpu.dma_semaphore, #tpu.memory_space<semaphore_mem>>)
    %dma_wait3A_30 = arith.constant 0 : i32
    %dma_wait3A_31 = arith.constant 0 : i32
    %dma_wait3A_32 = tpu.memref_slice %arg3[%dma_wait3A_30, %dma_wait3A_31] : memref<2300000x32xf32, #tpu.memory_space<hbm>> -> memref<2300000x32xf32, #tpu.memory_space<hbm>>
    tpu.wait_indirect_dma semaphore(%arg32 : memref<!tpu.dma_semaphore, #tpu.memory_space<semaphore_mem>>) src(%dma_wait3A_32 : memref<2300000x32xf32, #tpu.memory_space<hbm>>) dst(%arg30 : memref<1600x32xf32, #tpu.memory_space<vmem>>)
    %dma_wait3A_33 = tpu.memref_slice %arg2[%add3A_23] : memref<1331200xi32, #tpu.memory_space<hbm>> -> memref<1600xi32, #tpu.memory_space<hbm>>
    %dma_wait3A_34 = tpu.memref_slice %arg2[%add3A_23] : memref<1331200xi32, #tpu.memory_space<hbm>> -> memref<1600xi32, #tpu.memory_space<hbm>>
    tpu.wait_dma2 semaphore(%arg31 : memref<!tpu.dma_semaphore, #tpu.memory_space<semaphore_mem>>) src(%dma_wait3A_34 : memref<1600xi32, #tpu.memory_space<hbm>>) dst(%arg27 : memref<1600xi32, #tpu.memory_space<vmem>>)
    %dma_wait3A_35 = arith.constant 0 : i32
    %dma_wait3A_36 = tpu.memref_slice %arg4[%mul3A_2, %dma_wait3A_35] : memref<51200x32xf32, #tpu.memory_space<hbm>> -> memref<1600x32xf32, #tpu.memory_space<hbm>>
    %dma_wait3A_37 = arith.constant 0 : i32
    %dma_wait3A_38 = tpu.memref_slice %arg4[%mul3A_2, %dma_wait3A_37] : memref<51200x32xf32, #tpu.memory_space<hbm>> -> memref<1600x32xf32, #tpu.memory_space<hbm>>
    tpu.wait_dma2 semaphore(%arg33 : memref<!tpu.dma_semaphore, #tpu.memory_space<semaphore_mem>>) src(%arg29 : memref<1600x32xf32, #tpu.memory_space<vmem>>) dst(%dma_wait3A_38 : memref<1600x32xf32, #tpu.memory_space<hbm>>)
    %dma_start3A_39 = arith.constant 0 : i32
    %dma_start3A_40 = arith.constant 0 : i32
    %dma_start3A_41 = tpu.memref_slice %arg3[%dma_start3A_39, %dma_start3A_40] : memref<2300000x32xf32, #tpu.memory_space<hbm>> -> memref<2300000x32xf32, #tpu.memory_space<hbm>>
    tpu.enqueue_indirect_dma source(%dma_start3A_41 : memref<2300000x32xf32, #tpu.memory_space<hbm>>) target(%arg29 : memref<1600x32xf32, #tpu.memory_space<vmem>>) offsets(%arg27 : memref<1600xi32, #tpu.memory_space<vmem>>) semaphore(%arg32 : memref<!tpu.dma_semaphore, #tpu.memory_space<semaphore_mem>>)
    %add3A_42 = arith.constant 153600 : i32
    %add3A_43 = arith.addi %add3A_42, %mul3A_2 : i32
    %dma_start3A_44 = tpu.memref_slice %arg2[%add3A_43] : memref<1331200xi32, #tpu.memory_space<hbm>> -> memref<1600xi32, #tpu.memory_space<hbm>>
    %dma_start3A_45 = tpu.memref_slice %arg2[%add3A_43] : memref<1331200xi32, #tpu.memory_space<hbm>> -> memref<1600xi32, #tpu.memory_space<hbm>>
    tpu.enqueue_dma source(%dma_start3A_45 : memref<1600xi32, #tpu.memory_space<hbm>>) target(%arg28 : memref<1600xi32, #tpu.memory_space<vmem>>) target_semaphore(%arg31 : memref<!tpu.dma_semaphore, #tpu.memory_space<semaphore_mem>>)
    %dma_start3A_46 = arith.constant 0 : i32
    %dma_start3A_47 = tpu.memref_slice %arg5[%mul3A_2, %dma_start3A_46] : memref<51200x32xf32, #tpu.memory_space<hbm>> -> memref<1600x32xf32, #tpu.memory_space<hbm>>
    %dma_start3A_48 = arith.constant 0 : i32
    %dma_start3A_49 = tpu.memref_slice %arg5[%mul3A_2, %dma_start3A_48] : memref<51200x32xf32, #tpu.memory_space<hbm>> -> memref<1600x32xf32, #tpu.memory_space<hbm>>
    tpu.enqueue_dma source(%arg30 : memref<1600x32xf32, #tpu.memory_space<vmem>>) target(%dma_start3A_49 : memref<1600x32xf32, #tpu.memory_space<hbm>>) target_semaphore(%arg33 : memref<!tpu.dma_semaphore, #tpu.memory_space<semaphore_mem>>)
    %dma_wait3A_50 = arith.constant 0 : i32
    %dma_wait3A_51 = arith.constant 0 : i32
    %dma_wait3A_52 = tpu.memref_slice %arg3[%dma_wait3A_50, %dma_wait3A_51] : memref<2300000x32xf32, #tpu.memory_space<hbm>> -> memref<2300000x32xf32, #tpu.memory_space<hbm>>
    tpu.wait_indirect_dma semaphore(%arg32 : memref<!tpu.dma_semaphore, #tpu.memory_space<semaphore_mem>>) src(%dma_wait3A_52 : memref<2300000x32xf32, #tpu.memory_space<hbm>>) dst(%arg29 : memref<1600x32xf32, #tpu.memory_space<vmem>>)
    %dma_wait3A_53 = tpu.memref_slice %arg2[%add3A_43] : memref<1331200xi32, #tpu.memory_space<hbm>> -> memref<1600xi32, #tpu.memory_space<hbm>>
    %dma_wait3A_54 = tpu.memref_slice %arg2[%add3A_43] : memref<1331200xi32, #tpu.memory_space<hbm>> -> memref<1600xi32, #tpu.memory_space<hbm>>
    tpu.wait_dma2 semaphore(%arg31 : memref<!tpu.dma_semaphore, #tpu.memory_space<semaphore_mem>>) src(%dma_wait3A_54 : memref<1600xi32, #tpu.memory_space<hbm>>) dst(%arg28 : memref<1600xi32, #tpu.memory_space<vmem>>)
    %dma_wait3A_55 = arith.constant 0 : i32
    %dma_wait3A_56 = tpu.memref_slice %arg5[%mul3A_2, %dma_wait3A_55] : memref<51200x32xf32, #tpu.memory_space<hbm>> -> memref<1600x32xf32, #tpu.memory_space<hbm>>
    %dma_wait3A_57 = arith.constant 0 : i32
    %dma_wait3A_58 = tpu.memref_slice %arg5[%mul3A_2, %dma_wait3A_57] : memref<51200x32xf32, #tpu.memory_space<hbm>> -> memref<1600x32xf32, #tpu.memory_space<hbm>>
    tpu.wait_dma2 semaphore(%arg33 : memref<!tpu.dma_semaphore, #tpu.memory_space<semaphore_mem>>) src(%arg30 : memref<1600x32xf32, #tpu.memory_space<vmem>>) dst(%dma_wait3A_58 : memref<1600x32xf32, #tpu.memory_space<hbm>>)
    %dma_start3A_59 = arith.constant 0 : i32
    %dma_start3A_60 = arith.constant 0 : i32
    %dma_start3A_61 = tpu.memref_slice %arg3[%dma_start3A_59, %dma_start3A_60] : memref<2300000x32xf32, #tpu.memory_space<hbm>> -> memref<2300000x32xf32, #tpu.memory_space<hbm>>
    tpu.enqueue_indirect_dma source(%dma_start3A_61 : memref<2300000x32xf32, #tpu.memory_space<hbm>>) target(%arg30 : memref<1600x32xf32, #tpu.memory_space<vmem>>) offsets(%arg28 : memref<1600xi32, #tpu.memory_space<vmem>>) semaphore(%arg32 : memref<!tpu.dma_semaphore, #tpu.memory_space<semaphore_mem>>)
    %add3A_62 = arith.constant 204800 : i32
    %add3A_63 = arith.addi %add3A_62, %mul3A_2 : i32
    %dma_start3A_64 = tpu.memref_slice %arg2[%add3A_63] : memref<1331200xi32, #tpu.memory_space<hbm>> -> memref<1600xi32, #tpu.memory_space<hbm>>
    %dma_start3A_65 = tpu.memref_slice %arg2[%add3A_63] : memref<1331200xi32, #tpu.memory_space<hbm>> -> memref<1600xi32, #tpu.memory_space<hbm>>
    tpu.enqueue_dma source(%dma_start3A_65 : memref<1600xi32, #tpu.memory_space<hbm>>) target(%arg27 : memref<1600xi32, #tpu.memory_space<vmem>>) target_semaphore(%arg31 : memref<!tpu.dma_semaphore, #tpu.memory_space<semaphore_mem>>)
    %dma_start3A_66 = arith.constant 0 : i32
    %dma_start3A_67 = tpu.memref_slice %arg6[%mul3A_2, %dma_start3A_66] : memref<51200x32xf32, #tpu.memory_space<hbm>> -> memref<1600x32xf32, #tpu.memory_space<hbm>>
    %dma_start3A_68 = arith.constant 0 : i32
    %dma_start3A_69 = tpu.memref_slice %arg6[%mul3A_2, %dma_start3A_68] : memref<51200x32xf32, #tpu.memory_space<hbm>> -> memref<1600x32xf32, #tpu.memory_space<hbm>>
    tpu.enqueue_dma source(%arg29 : memref<1600x32xf32, #tpu.memory_space<vmem>>) target(%dma_start3A_69 : memref<1600x32xf32, #tpu.memory_space<hbm>>) target_semaphore(%arg33 : memref<!tpu.dma_semaphore, #tpu.memory_space<semaphore_mem>>)
    %dma_wait3A_70 = arith.constant 0 : i32
    %dma_wait3A_71 = arith.constant 0 : i32
    %dma_wait3A_72 = tpu.memref_slice %arg3[%dma_wait3A_70, %dma_wait3A_71] : memref<2300000x32xf32, #tpu.memory_space<hbm>> -> memref<2300000x32xf32, #tpu.memory_space<hbm>>
    tpu.wait_indirect_dma semaphore(%arg32 : memref<!tpu.dma_semaphore, #tpu.memory_space<semaphore_mem>>) src(%dma_wait3A_72 : memref<2300000x32xf32, #tpu.memory_space<hbm>>) dst(%arg30 : memref<1600x32xf32, #tpu.memory_space<vmem>>)
    %dma_wait3A_73 = tpu.memref_slice %arg2[%add3A_63] : memref<1331200xi32, #tpu.memory_space<hbm>> -> memref<1600xi32, #tpu.memory_space<hbm>>
    %dma_wait3A_74 = tpu.memref_slice %arg2[%add3A_63] : memref<1331200xi32, #tpu.memory_space<hbm>> -> memref<1600xi32, #tpu.memory_space<hbm>>
    tpu.wait_dma2 semaphore(%arg31 : memref<!tpu.dma_semaphore, #tpu.memory_space<semaphore_mem>>) src(%dma_wait3A_74 : memref<1600xi32, #tpu.memory_space<hbm>>) dst(%arg27 : memref<1600xi32, #tpu.memory_space<vmem>>)
    %dma_wait3A_75 = arith.constant 0 : i32
    %dma_wait3A_76 = tpu.memref_slice %arg6[%mul3A_2, %dma_wait3A_75] : memref<51200x32xf32, #tpu.memory_space<hbm>> -> memref<1600x32xf32, #tpu.memory_space<hbm>>
    %dma_wait3A_77 = arith.constant 0 : i32
    %dma_wait3A_78 = tpu.memref_slice %arg6[%mul3A_2, %dma_wait3A_77] : memref<51200x32xf32, #tpu.memory_space<hbm>> -> memref<1600x32xf32, #tpu.memory_space<hbm>>
    tpu.wait_dma2 semaphore(%arg33 : memref<!tpu.dma_semaphore, #tpu.memory_space<semaphore_mem>>) src(%arg29 : memref<1600x32xf32, #tpu.memory_space<vmem>>) dst(%dma_wait3A_78 : memref<1600x32xf32, #tpu.memory_space<hbm>>)
    %dma_start3A_79 = arith.constant 0 : i32
    %dma_start3A_80 = arith.constant 0 : i32
    %dma_start3A_81 = tpu.memref_slice %arg3[%dma_start3A_79, %dma_start3A_80] : memref<2300000x32xf32, #tpu.memory_space<hbm>> -> memref<2300000x32xf32, #tpu.memory_space<hbm>>
    tpu.enqueue_indirect_dma source(%dma_start3A_81 : memref<2300000x32xf32, #tpu.memory_space<hbm>>) target(%arg29 : memref<1600x32xf32, #tpu.memory_space<vmem>>) offsets(%arg27 : memref<1600xi32, #tpu.memory_space<vmem>>) semaphore(%arg32 : memref<!tpu.dma_semaphore, #tpu.memory_space<semaphore_mem>>)
    %add3A_82 = arith.constant 256000 : i32
    %add3A_83 = arith.addi %add3A_82, %mul3A_2 : i32
    %dma_start3A_84 = tpu.memref_slice %arg2[%add3A_83] : memref<1331200xi32, #tpu.memory_space<hbm>> -> memref<1600xi32, #tpu.memory_space<hbm>>
    %dma_start3A_85 = tpu.memref_slice %arg2[%add3A_83] : memref<1331200xi32, #tpu.memory_space<hbm>> -> memref<1600xi32, #tpu.memory_space<hbm>>
    tpu.enqueue_dma source(%dma_start3A_85 : memref<1600xi32, #tpu.memory_space<hbm>>) target(%arg28 : memref<1600xi32, #tpu.memory_space<vmem>>) target_semaphore(%arg31 : memref<!tpu.dma_semaphore, #tpu.memory_space<semaphore_mem>>)
    %dma_start3A_86 = arith.constant 0 : i32
    %dma_start3A_87 = tpu.memref_slice %arg7[%mul3A_2, %dma_start3A_86] : memref<51200x32xf32, #tpu.memory_space<hbm>> -> memref<1600x32xf32, #tpu.memory_space<hbm>>
    %dma_start3A_88 = arith.constant 0 : i32
    %dma_start3A_89 = tpu.memref_slice %arg7[%mul3A_2, %dma_start3A_88] : memref<51200x32xf32, #tpu.memory_space<hbm>> -> memref<1600x32xf32, #tpu.memory_space<hbm>>
    tpu.enqueue_dma source(%arg30 : memref<1600x32xf32, #tpu.memory_space<vmem>>) target(%dma_start3A_89 : memref<1600x32xf32, #tpu.memory_space<hbm>>) target_semaphore(%arg33 : memref<!tpu.dma_semaphore, #tpu.memory_space<semaphore_mem>>)
    %dma_wait3A_90 = arith.constant 0 : i32
    %dma_wait3A_91 = arith.constant 0 : i32
    %dma_wait3A_92 = tpu.memref_slice %arg3[%dma_wait3A_90, %dma_wait3A_91] : memref<2300000x32xf32, #tpu.memory_space<hbm>> -> memref<2300000x32xf32, #tpu.memory_space<hbm>>
    tpu.wait_indirect_dma semaphore(%arg32 : memref<!tpu.dma_semaphore, #tpu.memory_space<semaphore_mem>>) src(%dma_wait3A_92 : memref<2300000x32xf32, #tpu.memory_space<hbm>>) dst(%arg29 : memref<1600x32xf32, #tpu.memory_space<vmem>>)
    %dma_wait3A_93 = tpu.memref_slice %arg2[%add3A_83] : memref<1331200xi32, #tpu.memory_space<hbm>> -> memref<1600xi32, #tpu.memory_space<hbm>>
    %dma_wait3A_94 = tpu.memref_slice %arg2[%add3A_83] : memref<1331200xi32, #tpu.memory_space<hbm>> -> memref<1600xi32, #tpu.memory_space<hbm>>
    tpu.wait_dma2 semaphore(%arg31 : memref<!tpu.dma_semaphore, #tpu.memory_space<semaphore_mem>>) src(%dma_wait3A_94 : memref<1600xi32, #tpu.memory_space<hbm>>) dst(%arg28 : memref<1600xi32, #tpu.memory_space<vmem>>)
    %dma_wait3A_95 = arith.constant 0 : i32
    %dma_wait3A_96 = tpu.memref_slice %arg7[%mul3A_2, %dma_wait3A_95] : memref<51200x32xf32, #tpu.memory_space<hbm>> -> memref<1600x32xf32, #tpu.memory_space<hbm>>
    %dma_wait3A_97 = arith.constant 0 : i32
    %dma_wait3A_98 = tpu.memref_slice %arg7[%mul3A_2, %dma_wait3A_97] : memref<51200x32xf32, #tpu.memory_space<hbm>> -> memref<1600x32xf32, #tpu.memory_space<hbm>>
    tpu.wait_dma2 semaphore(%arg33 : memref<!tpu.dma_semaphore, #tpu.memory_space<semaphore_mem>>) src(%arg30 : memref<1600x32xf32, #tpu.memory_space<vmem>>) dst(%dma_wait3A_98 : memref<1600x32xf32, #tpu.memory_space<hbm>>)
    %dma_start3A_99 = arith.constant 0 : i32
    %dma_start3A_100 = arith.constant 0 : i32
    %dma_start3A_101 = tpu.memref_slice %arg3[%dma_start3A_99, %dma_start3A_100] : memref<2300000x32xf32, #tpu.memory_space<hbm>> -> memref<2300000x32xf32, #tpu.memory_space<hbm>>
    tpu.enqueue_indirect_dma source(%dma_start3A_101 : memref<2300000x32xf32, #tpu.memory_space<hbm>>) target(%arg30 : memref<1600x32xf32, #tpu.memory_space<vmem>>) offsets(%arg28 : memref<1600xi32, #tpu.memory_space<vmem>>) semaphore(%arg32 : memref<!tpu.dma_semaphore, #tpu.memory_space<semaphore_mem>>)
    %add3A_102 = arith.constant 307200 : i32
    %add3A_103 = arith.addi %add3A_102, %mul3A_2 : i32
    %dma_start3A_104 = tpu.memref_slice %arg2[%add3A_103] : memref<1331200xi32, #tpu.memory_space<hbm>> -> memref<1600xi32, #tpu.memory_space<hbm>>
    %dma_start3A_105 = tpu.memref_slice %arg2[%add3A_103] : memref<1331200xi32, #tpu.memory_space<hbm>> -> memref<1600xi32, #tpu.memory_space<hbm>>
    tpu.enqueue_dma source(%dma_start3A_105 : memref<1600xi32, #tpu.memory_space<hbm>>) target(%arg27 : memref<1600xi32, #tpu.memory_space<vmem>>) target_semaphore(%arg31 : memref<!tpu.dma_semaphore, #tpu.memory_space<semaphore_mem>>)
    %dma_start3A_106 = arith.constant 0 : i32
    %dma_start3A_107 = tpu.memref_slice %arg8[%mul3A_2, %dma_start3A_106] : memref<51200x32xf32, #tpu.memory_space<hbm>> -> memref<1600x32xf32, #tpu.memory_space<hbm>>
    %dma_start3A_108 = arith.constant 0 : i32
    %dma_start3A_109 = tpu.memref_slice %arg8[%mul3A_2, %dma_start3A_108] : memref<51200x32xf32, #tpu.memory_space<hbm>> -> memref<1600x32xf32, #tpu.memory_space<hbm>>
    tpu.enqueue_dma source(%arg29 : memref<1600x32xf32, #tpu.memory_space<vmem>>) target(%dma_start3A_109 : memref<1600x32xf32, #tpu.memory_space<hbm>>) target_semaphore(%arg33 : memref<!tpu.dma_semaphore, #tpu.memory_space<semaphore_mem>>)
    %dma_wait3A_110 = arith.constant 0 : i32
    %dma_wait3A_111 = arith.constant 0 : i32
    %dma_wait3A_112 = tpu.memref_slice %arg3[%dma_wait3A_110, %dma_wait3A_111] : memref<2300000x32xf32, #tpu.memory_space<hbm>> -> memref<2300000x32xf32, #tpu.memory_space<hbm>>
    tpu.wait_indirect_dma semaphore(%arg32 : memref<!tpu.dma_semaphore, #tpu.memory_space<semaphore_mem>>) src(%dma_wait3A_112 : memref<2300000x32xf32, #tpu.memory_space<hbm>>) dst(%arg30 : memref<1600x32xf32, #tpu.memory_space<vmem>>)
    %dma_wait3A_113 = tpu.memref_slice %arg2[%add3A_103] : memref<1331200xi32, #tpu.memory_space<hbm>> -> memref<1600xi32, #tpu.memory_space<hbm>>
    %dma_wait3A_114 = tpu.memref_slice %arg2[%add3A_103] : memref<1331200xi32, #tpu.memory_space<hbm>> -> memref<1600xi32, #tpu.memory_space<hbm>>
    tpu.wait_dma2 semaphore(%arg31 : memref<!tpu.dma_semaphore, #tpu.memory_space<semaphore_mem>>) src(%dma_wait3A_114 : memref<1600xi32, #tpu.memory_space<hbm>>) dst(%arg27 : memref<1600xi32, #tpu.memory_space<vmem>>)
    %dma_wait3A_115 = arith.constant 0 : i32
    %dma_wait3A_116 = tpu.memref_slice %arg8[%mul3A_2, %dma_wait3A_115] : memref<51200x32xf32, #tpu.memory_space<hbm>> -> memref<1600x32xf32, #tpu.memory_space<hbm>>
    %dma_wait3A_117 = arith.constant 0 : i32
    %dma_wait3A_118 = tpu.memref_slice %arg8[%mul3A_2, %dma_wait3A_117] : memref<51200x32xf32, #tpu.memory_space<hbm>> -> memref<1600x32xf32, #tpu.memory_space<hbm>>
    tpu.wait_dma2 semaphore(%arg33 : memref<!tpu.dma_semaphore, #tpu.memory_space<semaphore_mem>>) src(%arg29 : memref<1600x32xf32, #tpu.memory_space<vmem>>) dst(%dma_wait3A_118 : memref<1600x32xf32, #tpu.memory_space<hbm>>)
    %dma_start3A_119 = arith.constant 0 : i32
    %dma_start3A_120 = arith.constant 0 : i32
    %dma_start3A_121 = tpu.memref_slice %arg3[%dma_start3A_119, %dma_start3A_120] : memref<2300000x32xf32, #tpu.memory_space<hbm>> -> memref<2300000x32xf32, #tpu.memory_space<hbm>>
    tpu.enqueue_indirect_dma source(%dma_start3A_121 : memref<2300000x32xf32, #tpu.memory_space<hbm>>) target(%arg29 : memref<1600x32xf32, #tpu.memory_space<vmem>>) offsets(%arg27 : memref<1600xi32, #tpu.memory_space<vmem>>) semaphore(%arg32 : memref<!tpu.dma_semaphore, #tpu.memory_space<semaphore_mem>>)
    %add3A_122 = arith.constant 358400 : i32
    %add3A_123 = arith.addi %add3A_122, %mul3A_2 : i32
    %dma_start3A_124 = tpu.memref_slice %arg2[%add3A_123] : memref<1331200xi32, #tpu.memory_space<hbm>> -> memref<1600xi32, #tpu.memory_space<hbm>>
    %dma_start3A_125 = tpu.memref_slice %arg2[%add3A_123] : memref<1331200xi32, #tpu.memory_space<hbm>> -> memref<1600xi32, #tpu.memory_space<hbm>>
    tpu.enqueue_dma source(%dma_start3A_125 : memref<1600xi32, #tpu.memory_space<hbm>>) target(%arg28 : memref<1600xi32, #tpu.memory_space<vmem>>) target_semaphore(%arg31 : memref<!tpu.dma_semaphore, #tpu.memory_space<semaphore_mem>>)
    %dma_start3A_126 = arith.constant 0 : i32
    %dma_start3A_127 = tpu.memref_slice %arg9[%mul3A_2, %dma_start3A_126] : memref<51200x32xf32, #tpu.memory_space<hbm>> -> memref<1600x32xf32, #tpu.memory_space<hbm>>
    %dma_start3A_128 = arith.constant 0 : i32
    %dma_start3A_129 = tpu.memref_slice %arg9[%mul3A_2, %dma_start3A_128] : memref<51200x32xf32, #tpu.memory_space<hbm>> -> memref<1600x32xf32, #tpu.memory_space<hbm>>
    tpu.enqueue_dma source(%arg30 : memref<1600x32xf32, #tpu.memory_space<vmem>>) target(%dma_start3A_129 : memref<1600x32xf32, #tpu.memory_space<hbm>>) target_semaphore(%arg33 : memref<!tpu.dma_semaphore, #tpu.memory_space<semaphore_mem>>)
    %dma_wait3A_130 = arith.constant 0 : i32
    %dma_wait3A_131 = arith.constant 0 : i32
    %dma_wait3A_132 = tpu.memref_slice %arg3[%dma_wait3A_130, %dma_wait3A_131] : memref<2300000x32xf32, #tpu.memory_space<hbm>> -> memref<2300000x32xf32, #tpu.memory_space<hbm>>
    tpu.wait_indirect_dma semaphore(%arg32 : memref<!tpu.dma_semaphore, #tpu.memory_space<semaphore_mem>>) src(%dma_wait3A_132 : memref<2300000x32xf32, #tpu.memory_space<hbm>>) dst(%arg29 : memref<1600x32xf32, #tpu.memory_space<vmem>>)
    %dma_wait3A_133 = tpu.memref_slice %arg2[%add3A_123] : memref<1331200xi32, #tpu.memory_space<hbm>> -> memref<1600xi32, #tpu.memory_space<hbm>>
    %dma_wait3A_134 = tpu.memref_slice %arg2[%add3A_123] : memref<1331200xi32, #tpu.memory_space<hbm>> -> memref<1600xi32, #tpu.memory_space<hbm>>
    tpu.wait_dma2 semaphore(%arg31 : memref<!tpu.dma_semaphore, #tpu.memory_space<semaphore_mem>>) src(%dma_wait3A_134 : memref<1600xi32, #tpu.memory_space<hbm>>) dst(%arg28 : memref<1600xi32, #tpu.memory_space<vmem>>)
    %dma_wait3A_135 = arith.constant 0 : i32
    %dma_wait3A_136 = tpu.memref_slice %arg9[%mul3A_2, %dma_wait3A_135] : memref<51200x32xf32, #tpu.memory_space<hbm>> -> memref<1600x32xf32, #tpu.memory_space<hbm>>
    %dma_wait3A_137 = arith.constant 0 : i32
    %dma_wait3A_138 = tpu.memref_slice %arg9[%mul3A_2, %dma_wait3A_137] : memref<51200x32xf32, #tpu.memory_space<hbm>> -> memref<1600x32xf32, #tpu.memory_space<hbm>>
    tpu.wait_dma2 semaphore(%arg33 : memref<!tpu.dma_semaphore, #tpu.memory_space<semaphore_mem>>) src(%arg30 : memref<1600x32xf32, #tpu.memory_space<vmem>>) dst(%dma_wait3A_138 : memref<1600x32xf32, #tpu.memory_space<hbm>>)
    %dma_start3A_139 = arith.constant 0 : i32
    %dma_start3A_140 = arith.constant 0 : i32
    %dma_start3A_141 = tpu.memref_slice %arg3[%dma_start3A_139, %dma_start3A_140] : memref<2300000x32xf32, #tpu.memory_space<hbm>> -> memref<2300000x32xf32, #tpu.memory_space<hbm>>
    tpu.enqueue_indirect_dma source(%dma_start3A_141 : memref<2300000x32xf32, #tpu.memory_space<hbm>>) target(%arg30 : memref<1600x32xf32, #tpu.memory_space<vmem>>) offsets(%arg28 : memref<1600xi32, #tpu.memory_space<vmem>>) semaphore(%arg32 : memref<!tpu.dma_semaphore, #tpu.memory_space<semaphore_mem>>)
    %add3A_142 = arith.constant 409600 : i32
    %add3A_143 = arith.addi %add3A_142, %mul3A_2 : i32
    %dma_start3A_144 = tpu.memref_slice %arg2[%add3A_143] : memref<1331200xi32, #tpu.memory_space<hbm>> -> memref<1600xi32, #tpu.memory_space<hbm>>
    %dma_start3A_145 = tpu.memref_slice %arg2[%add3A_143] : memref<1331200xi32, #tpu.memory_space<hbm>> -> memref<1600xi32, #tpu.memory_space<hbm>>
    tpu.enqueue_dma source(%dma_start3A_145 : memref<1600xi32, #tpu.memory_space<hbm>>) target(%arg27 : memref<1600xi32, #tpu.memory_space<vmem>>) target_semaphore(%arg31 : memref<!tpu.dma_semaphore, #tpu.memory_space<semaphore_mem>>)
    %dma_start3A_146 = arith.constant 0 : i32
    %dma_start3A_147 = tpu.memref_slice %arg10[%mul3A_2, %dma_start3A_146] : memref<51200x32xf32, #tpu.memory_space<hbm>> -> memref<1600x32xf32, #tpu.memory_space<hbm>>
    %dma_start3A_148 = arith.constant 0 : i32
    %dma_start3A_149 = tpu.memref_slice %arg10[%mul3A_2, %dma_start3A_148] : memref<51200x32xf32, #tpu.memory_space<hbm>> -> memref<1600x32xf32, #tpu.memory_space<hbm>>
    tpu.enqueue_dma source(%arg29 : memref<1600x32xf32, #tpu.memory_space<vmem>>) target(%dma_start3A_149 : memref<1600x32xf32, #tpu.memory_space<hbm>>) target_semaphore(%arg33 : memref<!tpu.dma_semaphore, #tpu.memory_space<semaphore_mem>>)
    %dma_wait3A_150 = arith.constant 0 : i32
    %dma_wait3A_151 = arith.constant 0 : i32
    %dma_wait3A_152 = tpu.memref_slice %arg3[%dma_wait3A_150, %dma_wait3A_151] : memref<2300000x32xf32, #tpu.memory_space<hbm>> -> memref<2300000x32xf32, #tpu.memory_space<hbm>>
    tpu.wait_indirect_dma semaphore(%arg32 : memref<!tpu.dma_semaphore, #tpu.memory_space<semaphore_mem>>) src(%dma_wait3A_152 : memref<2300000x32xf32, #tpu.memory_space<hbm>>) dst(%arg30 : memref<1600x32xf32, #tpu.memory_space<vmem>>)
    %dma_wait3A_153 = tpu.memref_slice %arg2[%add3A_143] : memref<1331200xi32, #tpu.memory_space<hbm>> -> memref<1600xi32, #tpu.memory_space<hbm>>
    %dma_wait3A_154 = tpu.memref_slice %arg2[%add3A_143] : memref<1331200xi32, #tpu.memory_space<hbm>> -> memref<1600xi32, #tpu.memory_space<hbm>>
    tpu.wait_dma2 semaphore(%arg31 : memref<!tpu.dma_semaphore, #tpu.memory_space<semaphore_mem>>) src(%dma_wait3A_154 : memref<1600xi32, #tpu.memory_space<hbm>>) dst(%arg27 : memref<1600xi32, #tpu.memory_space<vmem>>)
    %dma_wait3A_155 = arith.constant 0 : i32
    %dma_wait3A_156 = tpu.memref_slice %arg10[%mul3A_2, %dma_wait3A_155] : memref<51200x32xf32, #tpu.memory_space<hbm>> -> memref<1600x32xf32, #tpu.memory_space<hbm>>
    %dma_wait3A_157 = arith.constant 0 : i32
    %dma_wait3A_158 = tpu.memref_slice %arg10[%mul3A_2, %dma_wait3A_157] : memref<51200x32xf32, #tpu.memory_space<hbm>> -> memref<1600x32xf32, #tpu.memory_space<hbm>>
    tpu.wait_dma2 semaphore(%arg33 : memref<!tpu.dma_semaphore, #tpu.memory_space<semaphore_mem>>) src(%arg29 : memref<1600x32xf32, #tpu.memory_space<vmem>>) dst(%dma_wait3A_158 : memref<1600x32xf32, #tpu.memory_space<hbm>>)
    %dma_start3A_159 = arith.constant 0 : i32
    %dma_start3A_160 = arith.constant 0 : i32
    %dma_start3A_161 = tpu.memref_slice %arg3[%dma_start3A_159, %dma_start3A_160] : memref<2300000x32xf32, #tpu.memory_space<hbm>> -> memref<2300000x32xf32, #tpu.memory_space<hbm>>
    tpu.enqueue_indirect_dma source(%dma_start3A_161 : memref<2300000x32xf32, #tpu.memory_space<hbm>>) target(%arg29 : memref<1600x32xf32, #tpu.memory_space<vmem>>) offsets(%arg27 : memref<1600xi32, #tpu.memory_space<vmem>>) semaphore(%arg32 : memref<!tpu.dma_semaphore, #tpu.memory_space<semaphore_mem>>)
    %add3A_162 = arith.constant 460800 : i32
    %add3A_163 = arith.addi %add3A_162, %mul3A_2 : i32
    %dma_start3A_164 = tpu.memref_slice %arg2[%add3A_163] : memref<1331200xi32, #tpu.memory_space<hbm>> -> memref<1600xi32, #tpu.memory_space<hbm>>
    %dma_start3A_165 = tpu.memref_slice %arg2[%add3A_163] : memref<1331200xi32, #tpu.memory_space<hbm>> -> memref<1600xi32, #tpu.memory_space<hbm>>
    tpu.enqueue_dma source(%dma_start3A_165 : memref<1600xi32, #tpu.memory_space<hbm>>) target(%arg28 : memref<1600xi32, #tpu.memory_space<vmem>>) target_semaphore(%arg31 : memref<!tpu.dma_semaphore, #tpu.memory_space<semaphore_mem>>)
    %dma_start3A_166 = arith.constant 0 : i32
    %dma_start3A_167 = tpu.memref_slice %arg11[%mul3A_2, %dma_start3A_166] : memref<51200x32xf32, #tpu.memory_space<hbm>> -> memref<1600x32xf32, #tpu.memory_space<hbm>>
    %dma_start3A_168 = arith.constant 0 : i32
    %dma_start3A_169 = tpu.memref_slice %arg11[%mul3A_2, %dma_start3A_168] : memref<51200x32xf32, #tpu.memory_space<hbm>> -> memref<1600x32xf32, #tpu.memory_space<hbm>>
    tpu.enqueue_dma source(%arg30 : memref<1600x32xf32, #tpu.memory_space<vmem>>) target(%dma_start3A_169 : memref<1600x32xf32, #tpu.memory_space<hbm>>) target_semaphore(%arg33 : memref<!tpu.dma_semaphore, #tpu.memory_space<semaphore_mem>>)
    %dma_wait3A_170 = arith.constant 0 : i32
    %dma_wait3A_171 = arith.constant 0 : i32
    %dma_wait3A_172 = tpu.memref_slice %arg3[%dma_wait3A_170, %dma_wait3A_171] : memref<2300000x32xf32, #tpu.memory_space<hbm>> -> memref<2300000x32xf32, #tpu.memory_space<hbm>>
    tpu.wait_indirect_dma semaphore(%arg32 : memref<!tpu.dma_semaphore, #tpu.memory_space<semaphore_mem>>) src(%dma_wait3A_172 : memref<2300000x32xf32, #tpu.memory_space<hbm>>) dst(%arg29 : memref<1600x32xf32, #tpu.memory_space<vmem>>)
    %dma_wait3A_173 = tpu.memref_slice %arg2[%add3A_163] : memref<1331200xi32, #tpu.memory_space<hbm>> -> memref<1600xi32, #tpu.memory_space<hbm>>
    %dma_wait3A_174 = tpu.memref_slice %arg2[%add3A_163] : memref<1331200xi32, #tpu.memory_space<hbm>> -> memref<1600xi32, #tpu.memory_space<hbm>>
    tpu.wait_dma2 semaphore(%arg31 : memref<!tpu.dma_semaphore, #tpu.memory_space<semaphore_mem>>) src(%dma_wait3A_174 : memref<1600xi32, #tpu.memory_space<hbm>>) dst(%arg28 : memref<1600xi32, #tpu.memory_space<vmem>>)
    %dma_wait3A_175 = arith.constant 0 : i32
    %dma_wait3A_176 = tpu.memref_slice %arg11[%mul3A_2, %dma_wait3A_175] : memref<51200x32xf32, #tpu.memory_space<hbm>> -> memref<1600x32xf32, #tpu.memory_space<hbm>>
    %dma_wait3A_177 = arith.constant 0 : i32
    %dma_wait3A_178 = tpu.memref_slice %arg11[%mul3A_2, %dma_wait3A_177] : memref<51200x32xf32, #tpu.memory_space<hbm>> -> memref<1600x32xf32, #tpu.memory_space<hbm>>
    tpu.wait_dma2 semaphore(%arg33 : memref<!tpu.dma_semaphore, #tpu.memory_space<semaphore_mem>>) src(%arg30 : memref<1600x32xf32, #tpu.memory_space<vmem>>) dst(%dma_wait3A_178 : memref<1600x32xf32, #tpu.memory_space<hbm>>)
    %dma_start3A_179 = arith.constant 0 : i32
    %dma_start3A_180 = arith.constant 0 : i32
    %dma_start3A_181 = tpu.memref_slice %arg3[%dma_start3A_179, %dma_start3A_180] : memref<2300000x32xf32, #tpu.memory_space<hbm>> -> memref<2300000x32xf32, #tpu.memory_space<hbm>>
    tpu.enqueue_indirect_dma source(%dma_start3A_181 : memref<2300000x32xf32, #tpu.memory_space<hbm>>) target(%arg30 : memref<1600x32xf32, #tpu.memory_space<vmem>>) offsets(%arg28 : memref<1600xi32, #tpu.memory_space<vmem>>) semaphore(%arg32 : memref<!tpu.dma_semaphore, #tpu.memory_space<semaphore_mem>>)
    %add3A_182 = arith.constant 512000 : i32
    %add3A_183 = arith.addi %add3A_182, %mul3A_2 : i32
    %dma_start3A_184 = tpu.memref_slice %arg2[%add3A_183] : memref<1331200xi32, #tpu.memory_space<hbm>> -> memref<1600xi32, #tpu.memory_space<hbm>>
    %dma_start3A_185 = tpu.memref_slice %arg2[%add3A_183] : memref<1331200xi32, #tpu.memory_space<hbm>> -> memref<1600xi32, #tpu.memory_space<hbm>>
    tpu.enqueue_dma source(%dma_start3A_185 : memref<1600xi32, #tpu.memory_space<hbm>>) target(%arg27 : memref<1600xi32, #tpu.memory_space<vmem>>) target_semaphore(%arg31 : memref<!tpu.dma_semaphore, #tpu.memory_space<semaphore_mem>>)
    %dma_start3A_186 = arith.constant 0 : i32
    %dma_start3A_187 = tpu.memref_slice %arg12[%mul3A_2, %dma_start3A_186] : memref<51200x32xf32, #tpu.memory_space<hbm>> -> memref<1600x32xf32, #tpu.memory_space<hbm>>
    %dma_start3A_188 = arith.constant 0 : i32
    %dma_start3A_189 = tpu.memref_slice %arg12[%mul3A_2, %dma_start3A_188] : memref<51200x32xf32, #tpu.memory_space<hbm>> -> memref<1600x32xf32, #tpu.memory_space<hbm>>
    tpu.enqueue_dma source(%arg29 : memref<1600x32xf32, #tpu.memory_space<vmem>>) target(%dma_start3A_189 : memref<1600x32xf32, #tpu.memory_space<hbm>>) target_semaphore(%arg33 : memref<!tpu.dma_semaphore, #tpu.memory_space<semaphore_mem>>)
    %dma_wait3A_190 = arith.constant 0 : i32
    %dma_wait3A_191 = arith.constant 0 : i32
    %dma_wait3A_192 = tpu.memref_slice %arg3[%dma_wait3A_190, %dma_wait3A_191] : memref<2300000x32xf32, #tpu.memory_space<hbm>> -> memref<2300000x32xf32, #tpu.memory_space<hbm>>
    tpu.wait_indirect_dma semaphore(%arg32 : memref<!tpu.dma_semaphore, #tpu.memory_space<semaphore_mem>>) src(%dma_wait3A_192 : memref<2300000x32xf32, #tpu.memory_space<hbm>>) dst(%arg30 : memref<1600x32xf32, #tpu.memory_space<vmem>>)
    %dma_wait3A_193 = tpu.memref_slice %arg2[%add3A_183] : memref<1331200xi32, #tpu.memory_space<hbm>> -> memref<1600xi32, #tpu.memory_space<hbm>>
    %dma_wait3A_194 = tpu.memref_slice %arg2[%add3A_183] : memref<1331200xi32, #tpu.memory_space<hbm>> -> memref<1600xi32, #tpu.memory_space<hbm>>
    tpu.wait_dma2 semaphore(%arg31 : memref<!tpu.dma_semaphore, #tpu.memory_space<semaphore_mem>>) src(%dma_wait3A_194 : memref<1600xi32, #tpu.memory_space<hbm>>) dst(%arg27 : memref<1600xi32, #tpu.memory_space<vmem>>)
    %dma_wait3A_195 = arith.constant 0 : i32
    %dma_wait3A_196 = tpu.memref_slice %arg12[%mul3A_2, %dma_wait3A_195] : memref<51200x32xf32, #tpu.memory_space<hbm>> -> memref<1600x32xf32, #tpu.memory_space<hbm>>
    %dma_wait3A_197 = arith.constant 0 : i32
    %dma_wait3A_198 = tpu.memref_slice %arg12[%mul3A_2, %dma_wait3A_197] : memref<51200x32xf32, #tpu.memory_space<hbm>> -> memref<1600x32xf32, #tpu.memory_space<hbm>>
    tpu.wait_dma2 semaphore(%arg33 : memref<!tpu.dma_semaphore, #tpu.memory_space<semaphore_mem>>) src(%arg29 : memref<1600x32xf32, #tpu.memory_space<vmem>>) dst(%dma_wait3A_198 : memref<1600x32xf32, #tpu.memory_space<hbm>>)
    %dma_start3A_199 = arith.constant 0 : i32
    %dma_start3A_200 = arith.constant 0 : i32
    %dma_start3A_201 = tpu.memref_slice %arg3[%dma_start3A_199, %dma_start3A_200] : memref<2300000x32xf32, #tpu.memory_space<hbm>> -> memref<2300000x32xf32, #tpu.memory_space<hbm>>
    tpu.enqueue_indirect_dma source(%dma_start3A_201 : memref<2300000x32xf32, #tpu.memory_space<hbm>>) target(%arg29 : memref<1600x32xf32, #tpu.memory_space<vmem>>) offsets(%arg27 : memref<1600xi32, #tpu.memory_space<vmem>>) semaphore(%arg32 : memref<!tpu.dma_semaphore, #tpu.memory_space<semaphore_mem>>)
    %add3A_202 = arith.constant 563200 : i32
    %add3A_203 = arith.addi %add3A_202, %mul3A_2 : i32
    %dma_start3A_204 = tpu.memref_slice %arg2[%add3A_203] : memref<1331200xi32, #tpu.memory_space<hbm>> -> memref<1600xi32, #tpu.memory_space<hbm>>
    %dma_start3A_205 = tpu.memref_slice %arg2[%add3A_203] : memref<1331200xi32, #tpu.memory_space<hbm>> -> memref<1600xi32, #tpu.memory_space<hbm>>
    tpu.enqueue_dma source(%dma_start3A_205 : memref<1600xi32, #tpu.memory_space<hbm>>) target(%arg28 : memref<1600xi32, #tpu.memory_space<vmem>>) target_semaphore(%arg31 : memref<!tpu.dma_semaphore, #tpu.memory_space<semaphore_mem>>)
    %dma_start3A_206 = arith.constant 0 : i32
    %dma_start3A_207 = tpu.memref_slice %arg13[%mul3A_2, %dma_start3A_206] : memref<51200x32xf32, #tpu.memory_space<hbm>> -> memref<1600x32xf32, #tpu.memory_space<hbm>>
    %dma_start3A_208 = arith.constant 0 : i32
    %dma_start3A_209 = tpu.memref_slice %arg13[%mul3A_2, %dma_start3A_208] : memref<51200x32xf32, #tpu.memory_space<hbm>> -> memref<1600x32xf32, #tpu.memory_space<hbm>>
    tpu.enqueue_dma source(%arg30 : memref<1600x32xf32, #tpu.memory_space<vmem>>) target(%dma_start3A_209 : memref<1600x32xf32, #tpu.memory_space<hbm>>) target_semaphore(%arg33 : memref<!tpu.dma_semaphore, #tpu.memory_space<semaphore_mem>>)
    %dma_wait3A_210 = arith.constant 0 : i32
    %dma_wait3A_211 = arith.constant 0 : i32
    %dma_wait3A_212 = tpu.memref_slice %arg3[%dma_wait3A_210, %dma_wait3A_211] : memref<2300000x32xf32, #tpu.memory_space<hbm>> -> memref<2300000x32xf32, #tpu.memory_space<hbm>>
    tpu.wait_indirect_dma semaphore(%arg32 : memref<!tpu.dma_semaphore, #tpu.memory_space<semaphore_mem>>) src(%dma_wait3A_212 : memref<2300000x32xf32, #tpu.memory_space<hbm>>) dst(%arg29 : memref<1600x32xf32, #tpu.memory_space<vmem>>)
    %dma_wait3A_213 = tpu.memref_slice %arg2[%add3A_203] : memref<1331200xi32, #tpu.memory_space<hbm>> -> memref<1600xi32, #tpu.memory_space<hbm>>
    %dma_wait3A_214 = tpu.memref_slice %arg2[%add3A_203] : memref<1331200xi32, #tpu.memory_space<hbm>> -> memref<1600xi32, #tpu.memory_space<hbm>>
    tpu.wait_dma2 semaphore(%arg31 : memref<!tpu.dma_semaphore, #tpu.memory_space<semaphore_mem>>) src(%dma_wait3A_214 : memref<1600xi32, #tpu.memory_space<hbm>>) dst(%arg28 : memref<1600xi32, #tpu.memory_space<vmem>>)
    %dma_wait3A_215 = arith.constant 0 : i32
    %dma_wait3A_216 = tpu.memref_slice %arg13[%mul3A_2, %dma_wait3A_215] : memref<51200x32xf32, #tpu.memory_space<hbm>> -> memref<1600x32xf32, #tpu.memory_space<hbm>>
    %dma_wait3A_217 = arith.constant 0 : i32
    %dma_wait3A_218 = tpu.memref_slice %arg13[%mul3A_2, %dma_wait3A_217] : memref<51200x32xf32, #tpu.memory_space<hbm>> -> memref<1600x32xf32, #tpu.memory_space<hbm>>
    tpu.wait_dma2 semaphore(%arg33 : memref<!tpu.dma_semaphore, #tpu.memory_space<semaphore_mem>>) src(%arg30 : memref<1600x32xf32, #tpu.memory_space<vmem>>) dst(%dma_wait3A_218 : memref<1600x32xf32, #tpu.memory_space<hbm>>)
    %dma_start3A_219 = arith.constant 0 : i32
    %dma_start3A_220 = arith.constant 0 : i32
    %dma_start3A_221 = tpu.memref_slice %arg3[%dma_start3A_219, %dma_start3A_220] : memref<2300000x32xf32, #tpu.memory_space<hbm>> -> memref<2300000x32xf32, #tpu.memory_space<hbm>>
    tpu.enqueue_indirect_dma source(%dma_start3A_221 : memref<2300000x32xf32, #tpu.memory_space<hbm>>) target(%arg30 : memref<1600x32xf32, #tpu.memory_space<vmem>>) offsets(%arg28 : memref<1600xi32, #tpu.memory_space<vmem>>) semaphore(%arg32 : memref<!tpu.dma_semaphore, #tpu.memory_space<semaphore_mem>>)
    %add3A_222 = arith.constant 614400 : i32
    %add3A_223 = arith.addi %add3A_222, %mul3A_2 : i32
    %dma_start3A_224 = tpu.memref_slice %arg2[%add3A_223] : memref<1331200xi32, #tpu.memory_space<hbm>> -> memref<1600xi32, #tpu.memory_space<hbm>>
    %dma_start3A_225 = tpu.memref_slice %arg2[%add3A_223] : memref<1331200xi32, #tpu.memory_space<hbm>> -> memref<1600xi32, #tpu.memory_space<hbm>>
    tpu.enqueue_dma source(%dma_start3A_225 : memref<1600xi32, #tpu.memory_space<hbm>>) target(%arg27 : memref<1600xi32, #tpu.memory_space<vmem>>) target_semaphore(%arg31 : memref<!tpu.dma_semaphore, #tpu.memory_space<semaphore_mem>>)
    %dma_start3A_226 = arith.constant 0 : i32
    %dma_start3A_227 = tpu.memref_slice %arg14[%mul3A_2, %dma_start3A_226] : memref<51200x32xf32, #tpu.memory_space<hbm>> -> memref<1600x32xf32, #tpu.memory_space<hbm>>
    %dma_start3A_228 = arith.constant 0 : i32
    %dma_start3A_229 = tpu.memref_slice %arg14[%mul3A_2, %dma_start3A_228] : memref<51200x32xf32, #tpu.memory_space<hbm>> -> memref<1600x32xf32, #tpu.memory_space<hbm>>
    tpu.enqueue_dma source(%arg29 : memref<1600x32xf32, #tpu.memory_space<vmem>>) target(%dma_start3A_229 : memref<1600x32xf32, #tpu.memory_space<hbm>>) target_semaphore(%arg33 : memref<!tpu.dma_semaphore, #tpu.memory_space<semaphore_mem>>)
    %dma_wait3A_230 = arith.constant 0 : i32
    %dma_wait3A_231 = arith.constant 0 : i32
    %dma_wait3A_232 = tpu.memref_slice %arg3[%dma_wait3A_230, %dma_wait3A_231] : memref<2300000x32xf32, #tpu.memory_space<hbm>> -> memref<2300000x32xf32, #tpu.memory_space<hbm>>
    tpu.wait_indirect_dma semaphore(%arg32 : memref<!tpu.dma_semaphore, #tpu.memory_space<semaphore_mem>>) src(%dma_wait3A_232 : memref<2300000x32xf32, #tpu.memory_space<hbm>>) dst(%arg30 : memref<1600x32xf32, #tpu.memory_space<vmem>>)
    %dma_wait3A_233 = tpu.memref_slice %arg2[%add3A_223] : memref<1331200xi32, #tpu.memory_space<hbm>> -> memref<1600xi32, #tpu.memory_space<hbm>>
    %dma_wait3A_234 = tpu.memref_slice %arg2[%add3A_223] : memref<1331200xi32, #tpu.memory_space<hbm>> -> memref<1600xi32, #tpu.memory_space<hbm>>
    tpu.wait_dma2 semaphore(%arg31 : memref<!tpu.dma_semaphore, #tpu.memory_space<semaphore_mem>>) src(%dma_wait3A_234 : memref<1600xi32, #tpu.memory_space<hbm>>) dst(%arg27 : memref<1600xi32, #tpu.memory_space<vmem>>)
    %dma_wait3A_235 = arith.constant 0 : i32
    %dma_wait3A_236 = tpu.memref_slice %arg14[%mul3A_2, %dma_wait3A_235] : memref<51200x32xf32, #tpu.memory_space<hbm>> -> memref<1600x32xf32, #tpu.memory_space<hbm>>
    %dma_wait3A_237 = arith.constant 0 : i32
    %dma_wait3A_238 = tpu.memref_slice %arg14[%mul3A_2, %dma_wait3A_237] : memref<51200x32xf32, #tpu.memory_space<hbm>> -> memref<1600x32xf32, #tpu.memory_space<hbm>>
    tpu.wait_dma2 semaphore(%arg33 : memref<!tpu.dma_semaphore, #tpu.memory_space<semaphore_mem>>) src(%arg29 : memref<1600x32xf32, #tpu.memory_space<vmem>>) dst(%dma_wait3A_238 : memref<1600x32xf32, #tpu.memory_space<hbm>>)
    %dma_start3A_239 = arith.constant 0 : i32
    %dma_start3A_240 = arith.constant 0 : i32
    %dma_start3A_241 = tpu.memref_slice %arg3[%dma_start3A_239, %dma_start3A_240] : memref<2300000x32xf32, #tpu.memory_space<hbm>> -> memref<2300000x32xf32, #tpu.memory_space<hbm>>
    tpu.enqueue_indirect_dma source(%dma_start3A_241 : memref<2300000x32xf32, #tpu.memory_space<hbm>>) target(%arg29 : memref<1600x32xf32, #tpu.memory_space<vmem>>) offsets(%arg27 : memref<1600xi32, #tpu.memory_space<vmem>>) semaphore(%arg32 : memref<!tpu.dma_semaphore, #tpu.memory_space<semaphore_mem>>)
    %add3A_242 = arith.constant 665600 : i32
    %add3A_243 = arith.addi %add3A_242, %mul3A_2 : i32
    %dma_start3A_244 = tpu.memref_slice %arg2[%add3A_243] : memref<1331200xi32, #tpu.memory_space<hbm>> -> memref<1600xi32, #tpu.memory_space<hbm>>
    %dma_start3A_245 = tpu.memref_slice %arg2[%add3A_243] : memref<1331200xi32, #tpu.memory_space<hbm>> -> memref<1600xi32, #tpu.memory_space<hbm>>
    tpu.enqueue_dma source(%dma_start3A_245 : memref<1600xi32, #tpu.memory_space<hbm>>) target(%arg28 : memref<1600xi32, #tpu.memory_space<vmem>>) target_semaphore(%arg31 : memref<!tpu.dma_semaphore, #tpu.memory_space<semaphore_mem>>)
    %dma_start3A_246 = arith.constant 0 : i32
    %dma_start3A_247 = tpu.memref_slice %arg15[%mul3A_2, %dma_start3A_246] : memref<51200x32xf32, #tpu.memory_space<hbm>> -> memref<1600x32xf32, #tpu.memory_space<hbm>>
    %dma_start3A_248 = arith.constant 0 : i32
    %dma_start3A_249 = tpu.memref_slice %arg15[%mul3A_2, %dma_start3A_248] : memref<51200x32xf32, #tpu.memory_space<hbm>> -> memref<1600x32xf32, #tpu.memory_space<hbm>>
    tpu.enqueue_dma source(%arg30 : memref<1600x32xf32, #tpu.memory_space<vmem>>) target(%dma_start3A_249 : memref<1600x32xf32, #tpu.memory_space<hbm>>) target_semaphore(%arg33 : memref<!tpu.dma_semaphore, #tpu.memory_space<semaphore_mem>>)
    %dma_wait3A_250 = arith.constant 0 : i32
    %dma_wait3A_251 = arith.constant 0 : i32
    %dma_wait3A_252 = tpu.memref_slice %arg3[%dma_wait3A_250, %dma_wait3A_251] : memref<2300000x32xf32, #tpu.memory_space<hbm>> -> memref<2300000x32xf32, #tpu.memory_space<hbm>>
    tpu.wait_indirect_dma semaphore(%arg32 : memref<!tpu.dma_semaphore, #tpu.memory_space<semaphore_mem>>) src(%dma_wait3A_252 : memref<2300000x32xf32, #tpu.memory_space<hbm>>) dst(%arg29 : memref<1600x32xf32, #tpu.memory_space<vmem>>)
    %dma_wait3A_253 = tpu.memref_slice %arg2[%add3A_243] : memref<1331200xi32, #tpu.memory_space<hbm>> -> memref<1600xi32, #tpu.memory_space<hbm>>
    %dma_wait3A_254 = tpu.memref_slice %arg2[%add3A_243] : memref<1331200xi32, #tpu.memory_space<hbm>> -> memref<1600xi32, #tpu.memory_space<hbm>>
    tpu.wait_dma2 semaphore(%arg31 : memref<!tpu.dma_semaphore, #tpu.memory_space<semaphore_mem>>) src(%dma_wait3A_254 : memref<1600xi32, #tpu.memory_space<hbm>>) dst(%arg28 : memref<1600xi32, #tpu.memory_space<vmem>>)
    %dma_wait3A_255 = arith.constant 0 : i32
    %dma_wait3A_256 = tpu.memref_slice %arg15[%mul3A_2, %dma_wait3A_255] : memref<51200x32xf32, #tpu.memory_space<hbm>> -> memref<1600x32xf32, #tpu.memory_space<hbm>>
    %dma_wait3A_257 = arith.constant 0 : i32
    %dma_wait3A_258 = tpu.memref_slice %arg15[%mul3A_2, %dma_wait3A_257] : memref<51200x32xf32, #tpu.memory_space<hbm>> -> memref<1600x32xf32, #tpu.memory_space<hbm>>
    tpu.wait_dma2 semaphore(%arg33 : memref<!tpu.dma_semaphore, #tpu.memory_space<semaphore_mem>>) src(%arg30 : memref<1600x32xf32, #tpu.memory_space<vmem>>) dst(%dma_wait3A_258 : memref<1600x32xf32, #tpu.memory_space<hbm>>)
    %dma_start3A_259 = arith.constant 0 : i32
    %dma_start3A_260 = arith.constant 0 : i32
    %dma_start3A_261 = tpu.memref_slice %arg3[%dma_start3A_259, %dma_start3A_260] : memref<2300000x32xf32, #tpu.memory_space<hbm>> -> memref<2300000x32xf32, #tpu.memory_space<hbm>>
    tpu.enqueue_indirect_dma source(%dma_start3A_261 : memref<2300000x32xf32, #tpu.memory_space<hbm>>) target(%arg30 : memref<1600x32xf32, #tpu.memory_space<vmem>>) offsets(%arg28 : memref<1600xi32, #tpu.memory_space<vmem>>) semaphore(%arg32 : memref<!tpu.dma_semaphore, #tpu.memory_space<semaphore_mem>>)
    %add3A_262 = arith.constant 716800 : i32
    %add3A_263 = arith.addi %add3A_262, %mul3A_2 : i32
    %dma_start3A_264 = tpu.memref_slice %arg2[%add3A_263] : memref<1331200xi32, #tpu.memory_space<hbm>> -> memref<1600xi32, #tpu.memory_space<hbm>>
    %dma_start3A_265 = tpu.memref_slice %arg2[%add3A_263] : memref<1331200xi32, #tpu.memory_space<hbm>> -> memref<1600xi32, #tpu.memory_space<hbm>>
    tpu.enqueue_dma source(%dma_start3A_265 : memref<1600xi32, #tpu.memory_space<hbm>>) target(%arg27 : memref<1600xi32, #tpu.memory_space<vmem>>) target_semaphore(%arg31 : memref<!tpu.dma_semaphore, #tpu.memory_space<semaphore_mem>>)
    %dma_start3A_266 = arith.constant 0 : i32
    %dma_start3A_267 = tpu.memref_slice %arg16[%mul3A_2, %dma_start3A_266] : memref<51200x32xf32, #tpu.memory_space<hbm>> -> memref<1600x32xf32, #tpu.memory_space<hbm>>
    %dma_start3A_268 = arith.constant 0 : i32
    %dma_start3A_269 = tpu.memref_slice %arg16[%mul3A_2, %dma_start3A_268] : memref<51200x32xf32, #tpu.memory_space<hbm>> -> memref<1600x32xf32, #tpu.memory_space<hbm>>
    tpu.enqueue_dma source(%arg29 : memref<1600x32xf32, #tpu.memory_space<vmem>>) target(%dma_start3A_269 : memref<1600x32xf32, #tpu.memory_space<hbm>>) target_semaphore(%arg33 : memref<!tpu.dma_semaphore, #tpu.memory_space<semaphore_mem>>)
    %dma_wait3A_270 = arith.constant 0 : i32
    %dma_wait3A_271 = arith.constant 0 : i32
    %dma_wait3A_272 = tpu.memref_slice %arg3[%dma_wait3A_270, %dma_wait3A_271] : memref<2300000x32xf32, #tpu.memory_space<hbm>> -> memref<2300000x32xf32, #tpu.memory_space<hbm>>
    tpu.wait_indirect_dma semaphore(%arg32 : memref<!tpu.dma_semaphore, #tpu.memory_space<semaphore_mem>>) src(%dma_wait3A_272 : memref<2300000x32xf32, #tpu.memory_space<hbm>>) dst(%arg30 : memref<1600x32xf32, #tpu.memory_space<vmem>>)
    %dma_wait3A_273 = tpu.memref_slice %arg2[%add3A_263] : memref<1331200xi32, #tpu.memory_space<hbm>> -> memref<1600xi32, #tpu.memory_space<hbm>>
    %dma_wait3A_274 = tpu.memref_slice %arg2[%add3A_263] : memref<1331200xi32, #tpu.memory_space<hbm>> -> memref<1600xi32, #tpu.memory_space<hbm>>
    tpu.wait_dma2 semaphore(%arg31 : memref<!tpu.dma_semaphore, #tpu.memory_space<semaphore_mem>>) src(%dma_wait3A_274 : memref<1600xi32, #tpu.memory_space<hbm>>) dst(%arg27 : memref<1600xi32, #tpu.memory_space<vmem>>)
    %dma_wait3A_275 = arith.constant 0 : i32
    %dma_wait3A_276 = tpu.memref_slice %arg16[%mul3A_2, %dma_wait3A_275] : memref<51200x32xf32, #tpu.memory_space<hbm>> -> memref<1600x32xf32, #tpu.memory_space<hbm>>
    %dma_wait3A_277 = arith.constant 0 : i32
    %dma_wait3A_278 = tpu.memref_slice %arg16[%mul3A_2, %dma_wait3A_277] : memref<51200x32xf32, #tpu.memory_space<hbm>> -> memref<1600x32xf32, #tpu.memory_space<hbm>>
    tpu.wait_dma2 semaphore(%arg33 : memref<!tpu.dma_semaphore, #tpu.memory_space<semaphore_mem>>) src(%arg29 : memref<1600x32xf32, #tpu.memory_space<vmem>>) dst(%dma_wait3A_278 : memref<1600x32xf32, #tpu.memory_space<hbm>>)
    %dma_start3A_279 = arith.constant 0 : i32
    %dma_start3A_280 = arith.constant 0 : i32
    %dma_start3A_281 = tpu.memref_slice %arg3[%dma_start3A_279, %dma_start3A_280] : memref<2300000x32xf32, #tpu.memory_space<hbm>> -> memref<2300000x32xf32, #tpu.memory_space<hbm>>
    tpu.enqueue_indirect_dma source(%dma_start3A_281 : memref<2300000x32xf32, #tpu.memory_space<hbm>>) target(%arg29 : memref<1600x32xf32, #tpu.memory_space<vmem>>) offsets(%arg27 : memref<1600xi32, #tpu.memory_space<vmem>>) semaphore(%arg32 : memref<!tpu.dma_semaphore, #tpu.memory_space<semaphore_mem>>)
    %add3A_282 = arith.constant 768000 : i32
    %add3A_283 = arith.addi %add3A_282, %mul3A_2 : i32
    %dma_start3A_284 = tpu.memref_slice %arg2[%add3A_283] : memref<1331200xi32, #tpu.memory_space<hbm>> -> memref<1600xi32, #tpu.memory_space<hbm>>
    %dma_start3A_285 = tpu.memref_slice %arg2[%add3A_283] : memref<1331200xi32, #tpu.memory_space<hbm>> -> memref<1600xi32, #tpu.memory_space<hbm>>
    tpu.enqueue_dma source(%dma_start3A_285 : memref<1600xi32, #tpu.memory_space<hbm>>) target(%arg28 : memref<1600xi32, #tpu.memory_space<vmem>>) target_semaphore(%arg31 : memref<!tpu.dma_semaphore, #tpu.memory_space<semaphore_mem>>)
    %dma_start3A_286 = arith.constant 0 : i32
    %dma_start3A_287 = tpu.memref_slice %arg17[%mul3A_2, %dma_start3A_286] : memref<51200x32xf32, #tpu.memory_space<hbm>> -> memref<1600x32xf32, #tpu.memory_space<hbm>>
    %dma_start3A_288 = arith.constant 0 : i32
    %dma_start3A_289 = tpu.memref_slice %arg17[%mul3A_2, %dma_start3A_288] : memref<51200x32xf32, #tpu.memory_space<hbm>> -> memref<1600x32xf32, #tpu.memory_space<hbm>>
    tpu.enqueue_dma source(%arg30 : memref<1600x32xf32, #tpu.memory_space<vmem>>) target(%dma_start3A_289 : memref<1600x32xf32, #tpu.memory_space<hbm>>) target_semaphore(%arg33 : memref<!tpu.dma_semaphore, #tpu.memory_space<semaphore_mem>>)
    %dma_wait3A_290 = arith.constant 0 : i32
    %dma_wait3A_291 = arith.constant 0 : i32
    %dma_wait3A_292 = tpu.memref_slice %arg3[%dma_wait3A_290, %dma_wait3A_291] : memref<2300000x32xf32, #tpu.memory_space<hbm>> -> memref<2300000x32xf32, #tpu.memory_space<hbm>>
    tpu.wait_indirect_dma semaphore(%arg32 : memref<!tpu.dma_semaphore, #tpu.memory_space<semaphore_mem>>) src(%dma_wait3A_292 : memref<2300000x32xf32, #tpu.memory_space<hbm>>) dst(%arg29 : memref<1600x32xf32, #tpu.memory_space<vmem>>)
    %dma_wait3A_293 = tpu.memref_slice %arg2[%add3A_283] : memref<1331200xi32, #tpu.memory_space<hbm>> -> memref<1600xi32, #tpu.memory_space<hbm>>
    %dma_wait3A_294 = tpu.memref_slice %arg2[%add3A_283] : memref<1331200xi32, #tpu.memory_space<hbm>> -> memref<1600xi32, #tpu.memory_space<hbm>>
    tpu.wait_dma2 semaphore(%arg31 : memref<!tpu.dma_semaphore, #tpu.memory_space<semaphore_mem>>) src(%dma_wait3A_294 : memref<1600xi32, #tpu.memory_space<hbm>>) dst(%arg28 : memref<1600xi32, #tpu.memory_space<vmem>>)
    %dma_wait3A_295 = arith.constant 0 : i32
    %dma_wait3A_296 = tpu.memref_slice %arg17[%mul3A_2, %dma_wait3A_295] : memref<51200x32xf32, #tpu.memory_space<hbm>> -> memref<1600x32xf32, #tpu.memory_space<hbm>>
    %dma_wait3A_297 = arith.constant 0 : i32
    %dma_wait3A_298 = tpu.memref_slice %arg17[%mul3A_2, %dma_wait3A_297] : memref<51200x32xf32, #tpu.memory_space<hbm>> -> memref<1600x32xf32, #tpu.memory_space<hbm>>
    tpu.wait_dma2 semaphore(%arg33 : memref<!tpu.dma_semaphore, #tpu.memory_space<semaphore_mem>>) src(%arg30 : memref<1600x32xf32, #tpu.memory_space<vmem>>) dst(%dma_wait3A_298 : memref<1600x32xf32, #tpu.memory_space<hbm>>)
    %dma_start3A_299 = arith.constant 0 : i32
    %dma_start3A_300 = arith.constant 0 : i32
    %dma_start3A_301 = tpu.memref_slice %arg3[%dma_start3A_299, %dma_start3A_300] : memref<2300000x32xf32, #tpu.memory_space<hbm>> -> memref<2300000x32xf32, #tpu.memory_space<hbm>>
    tpu.enqueue_indirect_dma source(%dma_start3A_301 : memref<2300000x32xf32, #tpu.memory_space<hbm>>) target(%arg30 : memref<1600x32xf32, #tpu.memory_space<vmem>>) offsets(%arg28 : memref<1600xi32, #tpu.memory_space<vmem>>) semaphore(%arg32 : memref<!tpu.dma_semaphore, #tpu.memory_space<semaphore_mem>>)
    %add3A_302 = arith.constant 819200 : i32
    %add3A_303 = arith.addi %add3A_302, %mul3A_2 : i32
    %dma_start3A_304 = tpu.memref_slice %arg2[%add3A_303] : memref<1331200xi32, #tpu.memory_space<hbm>> -> memref<1600xi32, #tpu.memory_space<hbm>>
    %dma_start3A_305 = tpu.memref_slice %arg2[%add3A_303] : memref<1331200xi32, #tpu.memory_space<hbm>> -> memref<1600xi32, #tpu.memory_space<hbm>>
    tpu.enqueue_dma source(%dma_start3A_305 : memref<1600xi32, #tpu.memory_space<hbm>>) target(%arg27 : memref<1600xi32, #tpu.memory_space<vmem>>) target_semaphore(%arg31 : memref<!tpu.dma_semaphore, #tpu.memory_space<semaphore_mem>>)
    %dma_start3A_306 = arith.constant 0 : i32
    %dma_start3A_307 = tpu.memref_slice %arg18[%mul3A_2, %dma_start3A_306] : memref<51200x32xf32, #tpu.memory_space<hbm>> -> memref<1600x32xf32, #tpu.memory_space<hbm>>
    %dma_start3A_308 = arith.constant 0 : i32
    %dma_start3A_309 = tpu.memref_slice %arg18[%mul3A_2, %dma_start3A_308] : memref<51200x32xf32, #tpu.memory_space<hbm>> -> memref<1600x32xf32, #tpu.memory_space<hbm>>
    tpu.enqueue_dma source(%arg29 : memref<1600x32xf32, #tpu.memory_space<vmem>>) target(%dma_start3A_309 : memref<1600x32xf32, #tpu.memory_space<hbm>>) target_semaphore(%arg33 : memref<!tpu.dma_semaphore, #tpu.memory_space<semaphore_mem>>)
    %dma_wait3A_310 = arith.constant 0 : i32
    %dma_wait3A_311 = arith.constant 0 : i32
    %dma_wait3A_312 = tpu.memref_slice %arg3[%dma_wait3A_310, %dma_wait3A_311] : memref<2300000x32xf32, #tpu.memory_space<hbm>> -> memref<2300000x32xf32, #tpu.memory_space<hbm>>
    tpu.wait_indirect_dma semaphore(%arg32 : memref<!tpu.dma_semaphore, #tpu.memory_space<semaphore_mem>>) src(%dma_wait3A_312 : memref<2300000x32xf32, #tpu.memory_space<hbm>>) dst(%arg30 : memref<1600x32xf32, #tpu.memory_space<vmem>>)
    %dma_wait3A_313 = tpu.memref_slice %arg2[%add3A_303] : memref<1331200xi32, #tpu.memory_space<hbm>> -> memref<1600xi32, #tpu.memory_space<hbm>>
    %dma_wait3A_314 = tpu.memref_slice %arg2[%add3A_303] : memref<1331200xi32, #tpu.memory_space<hbm>> -> memref<1600xi32, #tpu.memory_space<hbm>>
    tpu.wait_dma2 semaphore(%arg31 : memref<!tpu.dma_semaphore, #tpu.memory_space<semaphore_mem>>) src(%dma_wait3A_314 : memref<1600xi32, #tpu.memory_space<hbm>>) dst(%arg27 : memref<1600xi32, #tpu.memory_space<vmem>>)
    %dma_wait3A_315 = arith.constant 0 : i32
    %dma_wait3A_316 = tpu.memref_slice %arg18[%mul3A_2, %dma_wait3A_315] : memref<51200x32xf32, #tpu.memory_space<hbm>> -> memref<1600x32xf32, #tpu.memory_space<hbm>>
    %dma_wait3A_317 = arith.constant 0 : i32
    %dma_wait3A_318 = tpu.memref_slice %arg18[%mul3A_2, %dma_wait3A_317] : memref<51200x32xf32, #tpu.memory_space<hbm>> -> memref<1600x32xf32, #tpu.memory_space<hbm>>
    tpu.wait_dma2 semaphore(%arg33 : memref<!tpu.dma_semaphore, #tpu.memory_space<semaphore_mem>>) src(%arg29 : memref<1600x32xf32, #tpu.memory_space<vmem>>) dst(%dma_wait3A_318 : memref<1600x32xf32, #tpu.memory_space<hbm>>)
    %dma_start3A_319 = arith.constant 0 : i32
    %dma_start3A_320 = arith.constant 0 : i32
    %dma_start3A_321 = tpu.memref_slice %arg3[%dma_start3A_319, %dma_start3A_320] : memref<2300000x32xf32, #tpu.memory_space<hbm>> -> memref<2300000x32xf32, #tpu.memory_space<hbm>>
    tpu.enqueue_indirect_dma source(%dma_start3A_321 : memref<2300000x32xf32, #tpu.memory_space<hbm>>) target(%arg29 : memref<1600x32xf32, #tpu.memory_space<vmem>>) offsets(%arg27 : memref<1600xi32, #tpu.memory_space<vmem>>) semaphore(%arg32 : memref<!tpu.dma_semaphore, #tpu.memory_space<semaphore_mem>>)
    %add3A_322 = arith.constant 870400 : i32
    %add3A_323 = arith.addi %add3A_322, %mul3A_2 : i32
    %dma_start3A_324 = tpu.memref_slice %arg2[%add3A_323] : memref<1331200xi32, #tpu.memory_space<hbm>> -> memref<1600xi32, #tpu.memory_space<hbm>>
    %dma_start3A_325 = tpu.memref_slice %arg2[%add3A_323] : memref<1331200xi32, #tpu.memory_space<hbm>> -> memref<1600xi32, #tpu.memory_space<hbm>>
    tpu.enqueue_dma source(%dma_start3A_325 : memref<1600xi32, #tpu.memory_space<hbm>>) target(%arg28 : memref<1600xi32, #tpu.memory_space<vmem>>) target_semaphore(%arg31 : memref<!tpu.dma_semaphore, #tpu.memory_space<semaphore_mem>>)
    %dma_start3A_326 = arith.constant 0 : i32
    %dma_start3A_327 = tpu.memref_slice %arg19[%mul3A_2, %dma_start3A_326] : memref<51200x32xf32, #tpu.memory_space<hbm>> -> memref<1600x32xf32, #tpu.memory_space<hbm>>
    %dma_start3A_328 = arith.constant 0 : i32
    %dma_start3A_329 = tpu.memref_slice %arg19[%mul3A_2, %dma_start3A_328] : memref<51200x32xf32, #tpu.memory_space<hbm>> -> memref<1600x32xf32, #tpu.memory_space<hbm>>
    tpu.enqueue_dma source(%arg30 : memref<1600x32xf32, #tpu.memory_space<vmem>>) target(%dma_start3A_329 : memref<1600x32xf32, #tpu.memory_space<hbm>>) target_semaphore(%arg33 : memref<!tpu.dma_semaphore, #tpu.memory_space<semaphore_mem>>)
    %dma_wait3A_330 = arith.constant 0 : i32
    %dma_wait3A_331 = arith.constant 0 : i32
    %dma_wait3A_332 = tpu.memref_slice %arg3[%dma_wait3A_330, %dma_wait3A_331] : memref<2300000x32xf32, #tpu.memory_space<hbm>> -> memref<2300000x32xf32, #tpu.memory_space<hbm>>
    tpu.wait_indirect_dma semaphore(%arg32 : memref<!tpu.dma_semaphore, #tpu.memory_space<semaphore_mem>>) src(%dma_wait3A_332 : memref<2300000x32xf32, #tpu.memory_space<hbm>>) dst(%arg29 : memref<1600x32xf32, #tpu.memory_space<vmem>>)
    %dma_wait3A_333 = tpu.memref_slice %arg2[%add3A_323] : memref<1331200xi32, #tpu.memory_space<hbm>> -> memref<1600xi32, #tpu.memory_space<hbm>>
    %dma_wait3A_334 = tpu.memref_slice %arg2[%add3A_323] : memref<1331200xi32, #tpu.memory_space<hbm>> -> memref<1600xi32, #tpu.memory_space<hbm>>
    tpu.wait_dma2 semaphore(%arg31 : memref<!tpu.dma_semaphore, #tpu.memory_space<semaphore_mem>>) src(%dma_wait3A_334 : memref<1600xi32, #tpu.memory_space<hbm>>) dst(%arg28 : memref<1600xi32, #tpu.memory_space<vmem>>)
    %dma_wait3A_335 = arith.constant 0 : i32
    %dma_wait3A_336 = tpu.memref_slice %arg19[%mul3A_2, %dma_wait3A_335] : memref<51200x32xf32, #tpu.memory_space<hbm>> -> memref<1600x32xf32, #tpu.memory_space<hbm>>
    %dma_wait3A_337 = arith.constant 0 : i32
    %dma_wait3A_338 = tpu.memref_slice %arg19[%mul3A_2, %dma_wait3A_337] : memref<51200x32xf32, #tpu.memory_space<hbm>> -> memref<1600x32xf32, #tpu.memory_space<hbm>>
    tpu.wait_dma2 semaphore(%arg33 : memref<!tpu.dma_semaphore, #tpu.memory_space<semaphore_mem>>) src(%arg30 : memref<1600x32xf32, #tpu.memory_space<vmem>>) dst(%dma_wait3A_338 : memref<1600x32xf32, #tpu.memory_space<hbm>>)
    %dma_start3A_339 = arith.constant 0 : i32
    %dma_start3A_340 = arith.constant 0 : i32
    %dma_start3A_341 = tpu.memref_slice %arg3[%dma_start3A_339, %dma_start3A_340] : memref<2300000x32xf32, #tpu.memory_space<hbm>> -> memref<2300000x32xf32, #tpu.memory_space<hbm>>
    tpu.enqueue_indirect_dma source(%dma_start3A_341 : memref<2300000x32xf32, #tpu.memory_space<hbm>>) target(%arg30 : memref<1600x32xf32, #tpu.memory_space<vmem>>) offsets(%arg28 : memref<1600xi32, #tpu.memory_space<vmem>>) semaphore(%arg32 : memref<!tpu.dma_semaphore, #tpu.memory_space<semaphore_mem>>)
    %add3A_342 = arith.constant 921600 : i32
    %add3A_343 = arith.addi %add3A_342, %mul3A_2 : i32
    %dma_start3A_344 = tpu.memref_slice %arg2[%add3A_343] : memref<1331200xi32, #tpu.memory_space<hbm>> -> memref<1600xi32, #tpu.memory_space<hbm>>
    %dma_start3A_345 = tpu.memref_slice %arg2[%add3A_343] : memref<1331200xi32, #tpu.memory_space<hbm>> -> memref<1600xi32, #tpu.memory_space<hbm>>
    tpu.enqueue_dma source(%dma_start3A_345 : memref<1600xi32, #tpu.memory_space<hbm>>) target(%arg27 : memref<1600xi32, #tpu.memory_space<vmem>>) target_semaphore(%arg31 : memref<!tpu.dma_semaphore, #tpu.memory_space<semaphore_mem>>)
    %dma_start3A_346 = arith.constant 0 : i32
    %dma_start3A_347 = tpu.memref_slice %arg20[%mul3A_2, %dma_start3A_346] : memref<51200x32xf32, #tpu.memory_space<hbm>> -> memref<1600x32xf32, #tpu.memory_space<hbm>>
    %dma_start3A_348 = arith.constant 0 : i32
    %dma_start3A_349 = tpu.memref_slice %arg20[%mul3A_2, %dma_start3A_348] : memref<51200x32xf32, #tpu.memory_space<hbm>> -> memref<1600x32xf32, #tpu.memory_space<hbm>>
    tpu.enqueue_dma source(%arg29 : memref<1600x32xf32, #tpu.memory_space<vmem>>) target(%dma_start3A_349 : memref<1600x32xf32, #tpu.memory_space<hbm>>) target_semaphore(%arg33 : memref<!tpu.dma_semaphore, #tpu.memory_space<semaphore_mem>>)
    %dma_wait3A_350 = arith.constant 0 : i32
    %dma_wait3A_351 = arith.constant 0 : i32
    %dma_wait3A_352 = tpu.memref_slice %arg3[%dma_wait3A_350, %dma_wait3A_351] : memref<2300000x32xf32, #tpu.memory_space<hbm>> -> memref<2300000x32xf32, #tpu.memory_space<hbm>>
    tpu.wait_indirect_dma semaphore(%arg32 : memref<!tpu.dma_semaphore, #tpu.memory_space<semaphore_mem>>) src(%dma_wait3A_352 : memref<2300000x32xf32, #tpu.memory_space<hbm>>) dst(%arg30 : memref<1600x32xf32, #tpu.memory_space<vmem>>)
    %dma_wait3A_353 = tpu.memref_slice %arg2[%add3A_343] : memref<1331200xi32, #tpu.memory_space<hbm>> -> memref<1600xi32, #tpu.memory_space<hbm>>
    %dma_wait3A_354 = tpu.memref_slice %arg2[%add3A_343] : memref<1331200xi32, #tpu.memory_space<hbm>> -> memref<1600xi32, #tpu.memory_space<hbm>>
    tpu.wait_dma2 semaphore(%arg31 : memref<!tpu.dma_semaphore, #tpu.memory_space<semaphore_mem>>) src(%dma_wait3A_354 : memref<1600xi32, #tpu.memory_space<hbm>>) dst(%arg27 : memref<1600xi32, #tpu.memory_space<vmem>>)
    %dma_wait3A_355 = arith.constant 0 : i32
    %dma_wait3A_356 = tpu.memref_slice %arg20[%mul3A_2, %dma_wait3A_355] : memref<51200x32xf32, #tpu.memory_space<hbm>> -> memref<1600x32xf32, #tpu.memory_space<hbm>>
    %dma_wait3A_357 = arith.constant 0 : i32
    %dma_wait3A_358 = tpu.memref_slice %arg20[%mul3A_2, %dma_wait3A_357] : memref<51200x32xf32, #tpu.memory_space<hbm>> -> memref<1600x32xf32, #tpu.memory_space<hbm>>
    tpu.wait_dma2 semaphore(%arg33 : memref<!tpu.dma_semaphore, #tpu.memory_space<semaphore_mem>>) src(%arg29 : memref<1600x32xf32, #tpu.memory_space<vmem>>) dst(%dma_wait3A_358 : memref<1600x32xf32, #tpu.memory_space<hbm>>)
    %dma_start3A_359 = arith.constant 0 : i32
    %dma_start3A_360 = arith.constant 0 : i32
    %dma_start3A_361 = tpu.memref_slice %arg3[%dma_start3A_359, %dma_start3A_360] : memref<2300000x32xf32, #tpu.memory_space<hbm>> -> memref<2300000x32xf32, #tpu.memory_space<hbm>>
    tpu.enqueue_indirect_dma source(%dma_start3A_361 : memref<2300000x32xf32, #tpu.memory_space<hbm>>) target(%arg29 : memref<1600x32xf32, #tpu.memory_space<vmem>>) offsets(%arg27 : memref<1600xi32, #tpu.memory_space<vmem>>) semaphore(%arg32 : memref<!tpu.dma_semaphore, #tpu.memory_space<semaphore_mem>>)
    %add3A_362 = arith.constant 972800 : i32
    %add3A_363 = arith.addi %add3A_362, %mul3A_2 : i32
    %dma_start3A_364 = tpu.memref_slice %arg2[%add3A_363] : memref<1331200xi32, #tpu.memory_space<hbm>> -> memref<1600xi32, #tpu.memory_space<hbm>>
    %dma_start3A_365 = tpu.memref_slice %arg2[%add3A_363] : memref<1331200xi32, #tpu.memory_space<hbm>> -> memref<1600xi32, #tpu.memory_space<hbm>>
    tpu.enqueue_dma source(%dma_start3A_365 : memref<1600xi32, #tpu.memory_space<hbm>>) target(%arg28 : memref<1600xi32, #tpu.memory_space<vmem>>) target_semaphore(%arg31 : memref<!tpu.dma_semaphore, #tpu.memory_space<semaphore_mem>>)
    %dma_start3A_366 = arith.constant 0 : i32
    %dma_start3A_367 = tpu.memref_slice %arg21[%mul3A_2, %dma_start3A_366] : memref<51200x32xf32, #tpu.memory_space<hbm>> -> memref<1600x32xf32, #tpu.memory_space<hbm>>
    %dma_start3A_368 = arith.constant 0 : i32
    %dma_start3A_369 = tpu.memref_slice %arg21[%mul3A_2, %dma_start3A_368] : memref<51200x32xf32, #tpu.memory_space<hbm>> -> memref<1600x32xf32, #tpu.memory_space<hbm>>
    tpu.enqueue_dma source(%arg30 : memref<1600x32xf32, #tpu.memory_space<vmem>>) target(%dma_start3A_369 : memref<1600x32xf32, #tpu.memory_space<hbm>>) target_semaphore(%arg33 : memref<!tpu.dma_semaphore, #tpu.memory_space<semaphore_mem>>)
    %dma_wait3A_370 = arith.constant 0 : i32
    %dma_wait3A_371 = arith.constant 0 : i32
    %dma_wait3A_372 = tpu.memref_slice %arg3[%dma_wait3A_370, %dma_wait3A_371] : memref<2300000x32xf32, #tpu.memory_space<hbm>> -> memref<2300000x32xf32, #tpu.memory_space<hbm>>
    tpu.wait_indirect_dma semaphore(%arg32 : memref<!tpu.dma_semaphore, #tpu.memory_space<semaphore_mem>>) src(%dma_wait3A_372 : memref<2300000x32xf32, #tpu.memory_space<hbm>>) dst(%arg29 : memref<1600x32xf32, #tpu.memory_space<vmem>>)
    %dma_wait3A_373 = tpu.memref_slice %arg2[%add3A_363] : memref<1331200xi32, #tpu.memory_space<hbm>> -> memref<1600xi32, #tpu.memory_space<hbm>>
    %dma_wait3A_374 = tpu.memref_slice %arg2[%add3A_363] : memref<1331200xi32, #tpu.memory_space<hbm>> -> memref<1600xi32, #tpu.memory_space<hbm>>
    tpu.wait_dma2 semaphore(%arg31 : memref<!tpu.dma_semaphore, #tpu.memory_space<semaphore_mem>>) src(%dma_wait3A_374 : memref<1600xi32, #tpu.memory_space<hbm>>) dst(%arg28 : memref<1600xi32, #tpu.memory_space<vmem>>)
    %dma_wait3A_375 = arith.constant 0 : i32
    %dma_wait3A_376 = tpu.memref_slice %arg21[%mul3A_2, %dma_wait3A_375] : memref<51200x32xf32, #tpu.memory_space<hbm>> -> memref<1600x32xf32, #tpu.memory_space<hbm>>
    %dma_wait3A_377 = arith.constant 0 : i32
    %dma_wait3A_378 = tpu.memref_slice %arg21[%mul3A_2, %dma_wait3A_377] : memref<51200x32xf32, #tpu.memory_space<hbm>> -> memref<1600x32xf32, #tpu.memory_space<hbm>>
    tpu.wait_dma2 semaphore(%arg33 : memref<!tpu.dma_semaphore, #tpu.memory_space<semaphore_mem>>) src(%arg30 : memref<1600x32xf32, #tpu.memory_space<vmem>>) dst(%dma_wait3A_378 : memref<1600x32xf32, #tpu.memory_space<hbm>>)
    %dma_start3A_379 = arith.constant 0 : i32
    %dma_start3A_380 = arith.constant 0 : i32
    %dma_start3A_381 = tpu.memref_slice %arg3[%dma_start3A_379, %dma_start3A_380] : memref<2300000x32xf32, #tpu.memory_space<hbm>> -> memref<2300000x32xf32, #tpu.memory_space<hbm>>
    tpu.enqueue_indirect_dma source(%dma_start3A_381 : memref<2300000x32xf32, #tpu.memory_space<hbm>>) target(%arg30 : memref<1600x32xf32, #tpu.memory_space<vmem>>) offsets(%arg28 : memref<1600xi32, #tpu.memory_space<vmem>>) semaphore(%arg32 : memref<!tpu.dma_semaphore, #tpu.memory_space<semaphore_mem>>)
    %add3A_382 = arith.constant 1024000 : i32
    %add3A_383 = arith.addi %add3A_382, %mul3A_2 : i32
    %dma_start3A_384 = tpu.memref_slice %arg2[%add3A_383] : memref<1331200xi32, #tpu.memory_space<hbm>> -> memref<1600xi32, #tpu.memory_space<hbm>>
    %dma_start3A_385 = tpu.memref_slice %arg2[%add3A_383] : memref<1331200xi32, #tpu.memory_space<hbm>> -> memref<1600xi32, #tpu.memory_space<hbm>>
    tpu.enqueue_dma source(%dma_start3A_385 : memref<1600xi32, #tpu.memory_space<hbm>>) target(%arg27 : memref<1600xi32, #tpu.memory_space<vmem>>) target_semaphore(%arg31 : memref<!tpu.dma_semaphore, #tpu.memory_space<semaphore_mem>>)
    %dma_start3A_386 = arith.constant 0 : i32
    %dma_start3A_387 = tpu.memref_slice %arg22[%mul3A_2, %dma_start3A_386] : memref<51200x32xf32, #tpu.memory_space<hbm>> -> memref<1600x32xf32, #tpu.memory_space<hbm>>
    %dma_start3A_388 = arith.constant 0 : i32
    %dma_start3A_389 = tpu.memref_slice %arg22[%mul3A_2, %dma_start3A_388] : memref<51200x32xf32, #tpu.memory_space<hbm>> -> memref<1600x32xf32, #tpu.memory_space<hbm>>
    tpu.enqueue_dma source(%arg29 : memref<1600x32xf32, #tpu.memory_space<vmem>>) target(%dma_start3A_389 : memref<1600x32xf32, #tpu.memory_space<hbm>>) target_semaphore(%arg33 : memref<!tpu.dma_semaphore, #tpu.memory_space<semaphore_mem>>)
    %dma_wait3A_390 = arith.constant 0 : i32
    %dma_wait3A_391 = arith.constant 0 : i32
    %dma_wait3A_392 = tpu.memref_slice %arg3[%dma_wait3A_390, %dma_wait3A_391] : memref<2300000x32xf32, #tpu.memory_space<hbm>> -> memref<2300000x32xf32, #tpu.memory_space<hbm>>
    tpu.wait_indirect_dma semaphore(%arg32 : memref<!tpu.dma_semaphore, #tpu.memory_space<semaphore_mem>>) src(%dma_wait3A_392 : memref<2300000x32xf32, #tpu.memory_space<hbm>>) dst(%arg30 : memref<1600x32xf32, #tpu.memory_space<vmem>>)
    %dma_wait3A_393 = tpu.memref_slice %arg2[%add3A_383] : memref<1331200xi32, #tpu.memory_space<hbm>> -> memref<1600xi32, #tpu.memory_space<hbm>>
    %dma_wait3A_394 = tpu.memref_slice %arg2[%add3A_383] : memref<1331200xi32, #tpu.memory_space<hbm>> -> memref<1600xi32, #tpu.memory_space<hbm>>
    tpu.wait_dma2 semaphore(%arg31 : memref<!tpu.dma_semaphore, #tpu.memory_space<semaphore_mem>>) src(%dma_wait3A_394 : memref<1600xi32, #tpu.memory_space<hbm>>) dst(%arg27 : memref<1600xi32, #tpu.memory_space<vmem>>)
    %dma_wait3A_395 = arith.constant 0 : i32
    %dma_wait3A_396 = tpu.memref_slice %arg22[%mul3A_2, %dma_wait3A_395] : memref<51200x32xf32, #tpu.memory_space<hbm>> -> memref<1600x32xf32, #tpu.memory_space<hbm>>
    %dma_wait3A_397 = arith.constant 0 : i32
    %dma_wait3A_398 = tpu.memref_slice %arg22[%mul3A_2, %dma_wait3A_397] : memref<51200x32xf32, #tpu.memory_space<hbm>> -> memref<1600x32xf32, #tpu.memory_space<hbm>>
    tpu.wait_dma2 semaphore(%arg33 : memref<!tpu.dma_semaphore, #tpu.memory_space<semaphore_mem>>) src(%arg29 : memref<1600x32xf32, #tpu.memory_space<vmem>>) dst(%dma_wait3A_398 : memref<1600x32xf32, #tpu.memory_space<hbm>>)
    %dma_start3A_399 = arith.constant 0 : i32
    %dma_start3A_400 = arith.constant 0 : i32
    %dma_start3A_401 = tpu.memref_slice %arg3[%dma_start3A_399, %dma_start3A_400] : memref<2300000x32xf32, #tpu.memory_space<hbm>> -> memref<2300000x32xf32, #tpu.memory_space<hbm>>
    tpu.enqueue_indirect_dma source(%dma_start3A_401 : memref<2300000x32xf32, #tpu.memory_space<hbm>>) target(%arg29 : memref<1600x32xf32, #tpu.memory_space<vmem>>) offsets(%arg27 : memref<1600xi32, #tpu.memory_space<vmem>>) semaphore(%arg32 : memref<!tpu.dma_semaphore, #tpu.memory_space<semaphore_mem>>)
    %add3A_402 = arith.constant 1075200 : i32
    %add3A_403 = arith.addi %add3A_402, %mul3A_2 : i32
    %dma_start3A_404 = tpu.memref_slice %arg2[%add3A_403] : memref<1331200xi32, #tpu.memory_space<hbm>> -> memref<1600xi32, #tpu.memory_space<hbm>>
    %dma_start3A_405 = tpu.memref_slice %arg2[%add3A_403] : memref<1331200xi32, #tpu.memory_space<hbm>> -> memref<1600xi32, #tpu.memory_space<hbm>>
    tpu.enqueue_dma source(%dma_start3A_405 : memref<1600xi32, #tpu.memory_space<hbm>>) target(%arg28 : memref<1600xi32, #tpu.memory_space<vmem>>) target_semaphore(%arg31 : memref<!tpu.dma_semaphore, #tpu.memory_space<semaphore_mem>>)
    %dma_start3A_406 = arith.constant 0 : i32
    %dma_start3A_407 = tpu.memref_slice %arg23[%mul3A_2, %dma_start3A_406] : memref<51200x32xf32, #tpu.memory_space<hbm>> -> memref<1600x32xf32, #tpu.memory_space<hbm>>
    %dma_start3A_408 = arith.constant 0 : i32
    %dma_start3A_409 = tpu.memref_slice %arg23[%mul3A_2, %dma_start3A_408] : memref<51200x32xf32, #tpu.memory_space<hbm>> -> memref<1600x32xf32, #tpu.memory_space<hbm>>
    tpu.enqueue_dma source(%arg30 : memref<1600x32xf32, #tpu.memory_space<vmem>>) target(%dma_start3A_409 : memref<1600x32xf32, #tpu.memory_space<hbm>>) target_semaphore(%arg33 : memref<!tpu.dma_semaphore, #tpu.memory_space<semaphore_mem>>)
    %dma_wait3A_410 = arith.constant 0 : i32
    %dma_wait3A_411 = arith.constant 0 : i32
    %dma_wait3A_412 = tpu.memref_slice %arg3[%dma_wait3A_410, %dma_wait3A_411] : memref<2300000x32xf32, #tpu.memory_space<hbm>> -> memref<2300000x32xf32, #tpu.memory_space<hbm>>
    tpu.wait_indirect_dma semaphore(%arg32 : memref<!tpu.dma_semaphore, #tpu.memory_space<semaphore_mem>>) src(%dma_wait3A_412 : memref<2300000x32xf32, #tpu.memory_space<hbm>>) dst(%arg29 : memref<1600x32xf32, #tpu.memory_space<vmem>>)
    %dma_wait3A_413 = tpu.memref_slice %arg2[%add3A_403] : memref<1331200xi32, #tpu.memory_space<hbm>> -> memref<1600xi32, #tpu.memory_space<hbm>>
    %dma_wait3A_414 = tpu.memref_slice %arg2[%add3A_403] : memref<1331200xi32, #tpu.memory_space<hbm>> -> memref<1600xi32, #tpu.memory_space<hbm>>
    tpu.wait_dma2 semaphore(%arg31 : memref<!tpu.dma_semaphore, #tpu.memory_space<semaphore_mem>>) src(%dma_wait3A_414 : memref<1600xi32, #tpu.memory_space<hbm>>) dst(%arg28 : memref<1600xi32, #tpu.memory_space<vmem>>)
    %dma_wait3A_415 = arith.constant 0 : i32
    %dma_wait3A_416 = tpu.memref_slice %arg23[%mul3A_2, %dma_wait3A_415] : memref<51200x32xf32, #tpu.memory_space<hbm>> -> memref<1600x32xf32, #tpu.memory_space<hbm>>
    %dma_wait3A_417 = arith.constant 0 : i32
    %dma_wait3A_418 = tpu.memref_slice %arg23[%mul3A_2, %dma_wait3A_417] : memref<51200x32xf32, #tpu.memory_space<hbm>> -> memref<1600x32xf32, #tpu.memory_space<hbm>>
    tpu.wait_dma2 semaphore(%arg33 : memref<!tpu.dma_semaphore, #tpu.memory_space<semaphore_mem>>) src(%arg30 : memref<1600x32xf32, #tpu.memory_space<vmem>>) dst(%dma_wait3A_418 : memref<1600x32xf32, #tpu.memory_space<hbm>>)
    %dma_start3A_419 = arith.constant 0 : i32
    %dma_start3A_420 = arith.constant 0 : i32
    %dma_start3A_421 = tpu.memref_slice %arg3[%dma_start3A_419, %dma_start3A_420] : memref<2300000x32xf32, #tpu.memory_space<hbm>> -> memref<2300000x32xf32, #tpu.memory_space<hbm>>
    tpu.enqueue_indirect_dma source(%dma_start3A_421 : memref<2300000x32xf32, #tpu.memory_space<hbm>>) target(%arg30 : memref<1600x32xf32, #tpu.memory_space<vmem>>) offsets(%arg28 : memref<1600xi32, #tpu.memory_space<vmem>>) semaphore(%arg32 : memref<!tpu.dma_semaphore, #tpu.memory_space<semaphore_mem>>)
    %add3A_422 = arith.constant 1126400 : i32
    %add3A_423 = arith.addi %add3A_422, %mul3A_2 : i32
    %dma_start3A_424 = tpu.memref_slice %arg2[%add3A_423] : memref<1331200xi32, #tpu.memory_space<hbm>> -> memref<1600xi32, #tpu.memory_space<hbm>>
    %dma_start3A_425 = tpu.memref_slice %arg2[%add3A_423] : memref<1331200xi32, #tpu.memory_space<hbm>> -> memref<1600xi32, #tpu.memory_space<hbm>>
    tpu.enqueue_dma source(%dma_start3A_425 : memref<1600xi32, #tpu.memory_space<hbm>>) target(%arg27 : memref<1600xi32, #tpu.memory_space<vmem>>) target_semaphore(%arg31 : memref<!tpu.dma_semaphore, #tpu.memory_space<semaphore_mem>>)
    %dma_start3A_426 = arith.constant 0 : i32
    %dma_start3A_427 = tpu.memref_slice %arg24[%mul3A_2, %dma_start3A_426] : memref<51200x32xf32, #tpu.memory_space<hbm>> -> memref<1600x32xf32, #tpu.memory_space<hbm>>
    %dma_start3A_428 = arith.constant 0 : i32
    %dma_start3A_429 = tpu.memref_slice %arg24[%mul3A_2, %dma_start3A_428] : memref<51200x32xf32, #tpu.memory_space<hbm>> -> memref<1600x32xf32, #tpu.memory_space<hbm>>
    tpu.enqueue_dma source(%arg29 : memref<1600x32xf32, #tpu.memory_space<vmem>>) target(%dma_start3A_429 : memref<1600x32xf32, #tpu.memory_space<hbm>>) target_semaphore(%arg33 : memref<!tpu.dma_semaphore, #tpu.memory_space<semaphore_mem>>)
    %dma_wait3A_430 = arith.constant 0 : i32
    %dma_wait3A_431 = arith.constant 0 : i32
    %dma_wait3A_432 = tpu.memref_slice %arg3[%dma_wait3A_430, %dma_wait3A_431] : memref<2300000x32xf32, #tpu.memory_space<hbm>> -> memref<2300000x32xf32, #tpu.memory_space<hbm>>
    tpu.wait_indirect_dma semaphore(%arg32 : memref<!tpu.dma_semaphore, #tpu.memory_space<semaphore_mem>>) src(%dma_wait3A_432 : memref<2300000x32xf32, #tpu.memory_space<hbm>>) dst(%arg30 : memref<1600x32xf32, #tpu.memory_space<vmem>>)
    %dma_wait3A_433 = tpu.memref_slice %arg2[%add3A_423] : memref<1331200xi32, #tpu.memory_space<hbm>> -> memref<1600xi32, #tpu.memory_space<hbm>>
    %dma_wait3A_434 = tpu.memref_slice %arg2[%add3A_423] : memref<1331200xi32, #tpu.memory_space<hbm>> -> memref<1600xi32, #tpu.memory_space<hbm>>
    tpu.wait_dma2 semaphore(%arg31 : memref<!tpu.dma_semaphore, #tpu.memory_space<semaphore_mem>>) src(%dma_wait3A_434 : memref<1600xi32, #tpu.memory_space<hbm>>) dst(%arg27 : memref<1600xi32, #tpu.memory_space<vmem>>)
    %dma_wait3A_435 = arith.constant 0 : i32
    %dma_wait3A_436 = tpu.memref_slice %arg24[%mul3A_2, %dma_wait3A_435] : memref<51200x32xf32, #tpu.memory_space<hbm>> -> memref<1600x32xf32, #tpu.memory_space<hbm>>
    %dma_wait3A_437 = arith.constant 0 : i32
    %dma_wait3A_438 = tpu.memref_slice %arg24[%mul3A_2, %dma_wait3A_437] : memref<51200x32xf32, #tpu.memory_space<hbm>> -> memref<1600x32xf32, #tpu.memory_space<hbm>>
    tpu.wait_dma2 semaphore(%arg33 : memref<!tpu.dma_semaphore, #tpu.memory_space<semaphore_mem>>) src(%arg29 : memref<1600x32xf32, #tpu.memory_space<vmem>>) dst(%dma_wait3A_438 : memref<1600x32xf32, #tpu.memory_space<hbm>>)
    %dma_start3A_439 = arith.constant 0 : i32
    %dma_start3A_440 = arith.constant 0 : i32
    %dma_start3A_441 = tpu.memref_slice %arg3[%dma_start3A_439, %dma_start3A_440] : memref<2300000x32xf32, #tpu.memory_space<hbm>> -> memref<2300000x32xf32, #tpu.memory_space<hbm>>
    tpu.enqueue_indirect_dma source(%dma_start3A_441 : memref<2300000x32xf32, #tpu.memory_space<hbm>>) target(%arg29 : memref<1600x32xf32, #tpu.memory_space<vmem>>) offsets(%arg27 : memref<1600xi32, #tpu.memory_space<vmem>>) semaphore(%arg32 : memref<!tpu.dma_semaphore, #tpu.memory_space<semaphore_mem>>)
    %add3A_442 = arith.constant 1177600 : i32
    %add3A_443 = arith.addi %add3A_442, %mul3A_2 : i32
    %dma_start3A_444 = tpu.memref_slice %arg2[%add3A_443] : memref<1331200xi32, #tpu.memory_space<hbm>> -> memref<1600xi32, #tpu.memory_space<hbm>>
    %dma_start3A_445 = tpu.memref_slice %arg2[%add3A_443] : memref<1331200xi32, #tpu.memory_space<hbm>> -> memref<1600xi32, #tpu.memory_space<hbm>>
    tpu.enqueue_dma source(%dma_start3A_445 : memref<1600xi32, #tpu.memory_space<hbm>>) target(%arg28 : memref<1600xi32, #tpu.memory_space<vmem>>) target_semaphore(%arg31 : memref<!tpu.dma_semaphore, #tpu.memory_space<semaphore_mem>>)
    %dma_start3A_446 = arith.constant 0 : i32
    %dma_start3A_447 = tpu.memref_slice %arg25[%mul3A_2, %dma_start3A_446] : memref<51200x32xf32, #tpu.memory_space<hbm>> -> memref<1600x32xf32, #tpu.memory_space<hbm>>
    %dma_start3A_448 = arith.constant 0 : i32
    %dma_start3A_449 = tpu.memref_slice %arg25[%mul3A_2, %dma_start3A_448] : memref<51200x32xf32, #tpu.memory_space<hbm>> -> memref<1600x32xf32, #tpu.memory_space<hbm>>
    tpu.enqueue_dma source(%arg30 : memref<1600x32xf32, #tpu.memory_space<vmem>>) target(%dma_start3A_449 : memref<1600x32xf32, #tpu.memory_space<hbm>>) target_semaphore(%arg33 : memref<!tpu.dma_semaphore, #tpu.memory_space<semaphore_mem>>)
    %dma_wait3A_450 = arith.constant 0 : i32
    %dma_wait3A_451 = arith.constant 0 : i32
    %dma_wait3A_452 = tpu.memref_slice %arg3[%dma_wait3A_450, %dma_wait3A_451] : memref<2300000x32xf32, #tpu.memory_space<hbm>> -> memref<2300000x32xf32, #tpu.memory_space<hbm>>
    tpu.wait_indirect_dma semaphore(%arg32 : memref<!tpu.dma_semaphore, #tpu.memory_space<semaphore_mem>>) src(%dma_wait3A_452 : memref<2300000x32xf32, #tpu.memory_space<hbm>>) dst(%arg29 : memref<1600x32xf32, #tpu.memory_space<vmem>>)
    %dma_wait3A_453 = tpu.memref_slice %arg2[%add3A_443] : memref<1331200xi32, #tpu.memory_space<hbm>> -> memref<1600xi32, #tpu.memory_space<hbm>>
    %dma_wait3A_454 = tpu.memref_slice %arg2[%add3A_443] : memref<1331200xi32, #tpu.memory_space<hbm>> -> memref<1600xi32, #tpu.memory_space<hbm>>
    tpu.wait_dma2 semaphore(%arg31 : memref<!tpu.dma_semaphore, #tpu.memory_space<semaphore_mem>>) src(%dma_wait3A_454 : memref<1600xi32, #tpu.memory_space<hbm>>) dst(%arg28 : memref<1600xi32, #tpu.memory_space<vmem>>)
    %dma_wait3A_455 = arith.constant 0 : i32
    %dma_wait3A_456 = tpu.memref_slice %arg25[%mul3A_2, %dma_wait3A_455] : memref<51200x32xf32, #tpu.memory_space<hbm>> -> memref<1600x32xf32, #tpu.memory_space<hbm>>
    %dma_wait3A_457 = arith.constant 0 : i32
    %dma_wait3A_458 = tpu.memref_slice %arg25[%mul3A_2, %dma_wait3A_457] : memref<51200x32xf32, #tpu.memory_space<hbm>> -> memref<1600x32xf32, #tpu.memory_space<hbm>>
    tpu.wait_dma2 semaphore(%arg33 : memref<!tpu.dma_semaphore, #tpu.memory_space<semaphore_mem>>) src(%arg30 : memref<1600x32xf32, #tpu.memory_space<vmem>>) dst(%dma_wait3A_458 : memref<1600x32xf32, #tpu.memory_space<hbm>>)
    %dma_start3A_459 = arith.constant 0 : i32
    %dma_start3A_460 = arith.constant 0 : i32
    %dma_start3A_461 = tpu.memref_slice %arg3[%dma_start3A_459, %dma_start3A_460] : memref<2300000x32xf32, #tpu.memory_space<hbm>> -> memref<2300000x32xf32, #tpu.memory_space<hbm>>
    tpu.enqueue_indirect_dma source(%dma_start3A_461 : memref<2300000x32xf32, #tpu.memory_space<hbm>>) target(%arg30 : memref<1600x32xf32, #tpu.memory_space<vmem>>) offsets(%arg28 : memref<1600xi32, #tpu.memory_space<vmem>>) semaphore(%arg32 : memref<!tpu.dma_semaphore, #tpu.memory_space<semaphore_mem>>)
    %add3A_462 = arith.constant 1228800 : i32
    %add3A_463 = arith.addi %add3A_462, %mul3A_2 : i32
    %dma_start3A_464 = tpu.memref_slice %arg2[%add3A_463] : memref<1331200xi32, #tpu.memory_space<hbm>> -> memref<1600xi32, #tpu.memory_space<hbm>>
    %dma_start3A_465 = tpu.memref_slice %arg2[%add3A_463] : memref<1331200xi32, #tpu.memory_space<hbm>> -> memref<1600xi32, #tpu.memory_space<hbm>>
    tpu.enqueue_dma source(%dma_start3A_465 : memref<1600xi32, #tpu.memory_space<hbm>>) target(%arg27 : memref<1600xi32, #tpu.memory_space<vmem>>) target_semaphore(%arg31 : memref<!tpu.dma_semaphore, #tpu.memory_space<semaphore_mem>>)
    %dma_wait3A_466 = arith.constant 0 : i32
    %dma_wait3A_467 = arith.constant 0 : i32
    %dma_wait3A_468 = tpu.memref_slice %arg3[%dma_wait3A_466, %dma_wait3A_467] : memref<2300000x32xf32, #tpu.memory_space<hbm>> -> memref<2300000x32xf32, #tpu.memory_space<hbm>>
    tpu.wait_indirect_dma semaphore(%arg32 : memref<!tpu.dma_semaphore, #tpu.memory_space<semaphore_mem>>) src(%dma_wait3A_468 : memref<2300000x32xf32, #tpu.memory_space<hbm>>) dst(%arg30 : memref<1600x32xf32, #tpu.memory_space<vmem>>)
    %add3A_469 = arith.constant 1280000 : i32
    %add3A_470 = arith.addi %add3A_469, %mul3A_2 : i32
    %dma_start3A_471 = tpu.memref_slice %arg2[%add3A_470] : memref<1331200xi32, #tpu.memory_space<hbm>> -> memref<1600xi32, #tpu.memory_space<hbm>>
    %dma_start3A_472 = tpu.memref_slice %arg2[%add3A_470] : memref<1331200xi32, #tpu.memory_space<hbm>> -> memref<1600xi32, #tpu.memory_space<hbm>>
    tpu.enqueue_dma source(%dma_start3A_472 : memref<1600xi32, #tpu.memory_space<hbm>>) target(%arg28 : memref<1600xi32, #tpu.memory_space<vmem>>) target_semaphore(%arg31 : memref<!tpu.dma_semaphore, #tpu.memory_space<semaphore_mem>>)
    %scan3A = arith.constant 0 : i32
    %scan3A_473 = arith.constant 0 : i32
    %scan3A_474 = arith.constant 1600 : i32
    %scan3A_475 = arith.addi %scan3A_473, %scan3A_474 : i32
    %scan3A_476 = arith.constant 1 : i32
    %scan3A_477 = scf.for %scan3A_509 = %scan3A_473 to %scan3A_475 step %scan3A_476 iter_args(%scan3A_510 = %scan3A) -> (i32)  : i32 {
      %get3A = arith.index_cast %scan3A_509 : i32 to index
      %get3A_511 = arith.constant 0 : index
      %get3A_512 = tpu.vector_load %arg29[%get3A, %get3A_511] {strides = array<i32>} : memref<1600x32xf32, #tpu.memory_space<vmem>>, vector<1x16xf32>,
      %get3A_513 = vector.shape_cast %get3A_512 : vector<1x16xf32> to vector<16xf32>
      %get3A_514 = arith.index_cast %scan3A_509 : i32 to index
      %get3A_515 = arith.constant 0 : index
      %get3A_516 = tpu.vector_load %arg30[%get3A_514, %get3A_515] {strides = array<i32>} : memref<1600x32xf32, #tpu.memory_space<vmem>>, vector<1x16xf32>,
      %get3A_517 = vector.shape_cast %get3A_516 : vector<1x16xf32> to vector<16xf32>
      %add3A_518 = arith.addf %get3A_513, %get3A_517 : vector<16xf32>
      %swap3A = arith.index_cast %scan3A_509 : i32 to index
      %swap3A_519 = arith.constant 0 : index
      %swap3A_520 = tpu.vector_load %arg29[%swap3A, %swap3A_519] {strides = array<i32>} : memref<1600x32xf32, #tpu.memory_space<vmem>>, vector<1x16xf32>,
      %swap3A_521 = vector.shape_cast %swap3A_520 : vector<1x16xf32> to vector<16xf32>
      %swap3A_522 = vector.shape_cast %add3A_518 : vector<16xf32> to vector<1x16xf32>
      tpu.vector_store %arg29[%swap3A, %swap3A_519], %swap3A_522 {strides = array<i32>} : memref<1600x32xf32, #tpu.memory_space<vmem>>, vector<1x16xf32>,
      %get3A_523 = arith.index_cast %scan3A_509 : i32 to index
      %get3A_524 = arith.constant 16 : index
      %get3A_525 = tpu.vector_load %arg29[%get3A_523, %get3A_524] {strides = array<i32>} : memref<1600x32xf32, #tpu.memory_space<vmem>>, vector<1x16xf32>,
      %get3A_526 = vector.shape_cast %get3A_525 : vector<1x16xf32> to vector<16xf32>
      %get3A_527 = arith.index_cast %scan3A_509 : i32 to index
      %get3A_528 = arith.constant 16 : index
      %get3A_529 = tpu.vector_load %arg30[%get3A_527, %get3A_528] {strides = array<i32>} : memref<1600x32xf32, #tpu.memory_space<vmem>>, vector<1x16xf32>,
      %get3A_530 = vector.shape_cast %get3A_529 : vector<1x16xf32> to vector<16xf32>
      %add3A_531 = arith.addf %get3A_526, %get3A_530 : vector<16xf32>
      %swap3A_532 = arith.index_cast %scan3A_509 : i32 to index
      %swap3A_533 = arith.constant 16 : index
      %swap3A_534 = tpu.vector_load %arg29[%swap3A_532, %swap3A_533] {strides = array<i32>} : memref<1600x32xf32, #tpu.memory_space<vmem>>, vector<1x16xf32>,
      %swap3A_535 = vector.shape_cast %swap3A_534 : vector<1x16xf32> to vector<16xf32>
      %swap3A_536 = vector.shape_cast %add3A_531 : vector<16xf32> to vector<1x16xf32>
      tpu.vector_store %arg29[%swap3A_532, %swap3A_533], %swap3A_536 {strides = array<i32>} : memref<1600x32xf32, #tpu.memory_space<vmem>>, vector<1x16xf32>,
      %scan3A_537 = arith.constant 0 : i32
      scf.yield %scan3A_537 : i32
    }
    %scan3A_478 = arith.constant 1600 : i32
    %dma_wait3A_479 = tpu.memref_slice %arg2[%add3A_463] : memref<1331200xi32, #tpu.memory_space<hbm>> -> memref<1600xi32, #tpu.memory_space<hbm>>
    %dma_wait3A_480 = tpu.memref_slice %arg2[%add3A_463] : memref<1331200xi32, #tpu.memory_space<hbm>> -> memref<1600xi32, #tpu.memory_space<hbm>>
    tpu.wait_dma2 semaphore(%arg31 : memref<!tpu.dma_semaphore, #tpu.memory_space<semaphore_mem>>) src(%dma_wait3A_480 : memref<1600xi32, #tpu.memory_space<hbm>>) dst(%arg27 : memref<1600xi32, #tpu.memory_space<vmem>>)
    %dma_start3A_481 = arith.constant 0 : i32
    %dma_start3A_482 = arith.constant 0 : i32
    %dma_start3A_483 = tpu.memref_slice %arg3[%dma_start3A_481, %dma_start3A_482] : memref<2300000x32xf32, #tpu.memory_space<hbm>> -> memref<2300000x32xf32, #tpu.memory_space<hbm>>
    tpu.enqueue_indirect_dma source(%dma_start3A_483 : memref<2300000x32xf32, #tpu.memory_space<hbm>>) target(%arg30 : memref<1600x32xf32, #tpu.memory_space<vmem>>) offsets(%arg27 : memref<1600xi32, #tpu.memory_space<vmem>>) semaphore(%arg32 : memref<!tpu.dma_semaphore, #tpu.memory_space<semaphore_mem>>)
    %dma_wait3A_484 = arith.constant 0 : i32
    %dma_wait3A_485 = arith.constant 0 : i32
    %dma_wait3A_486 = tpu.memref_slice %arg3[%dma_wait3A_484, %dma_wait3A_485] : memref<2300000x32xf32, #tpu.memory_space<hbm>> -> memref<2300000x32xf32, #tpu.memory_space<hbm>>
    tpu.wait_indirect_dma semaphore(%arg32 : memref<!tpu.dma_semaphore, #tpu.memory_space<semaphore_mem>>) src(%dma_wait3A_486 : memref<2300000x32xf32, #tpu.memory_space<hbm>>) dst(%arg30 : memref<1600x32xf32, #tpu.memory_space<vmem>>)
    %scan3A_487 = arith.constant 0 : i32
    %scan3A_488 = arith.constant 0 : i32
    %scan3A_489 = arith.constant 1600 : i32
    %scan3A_490 = arith.addi %scan3A_488, %scan3A_489 : i32
    %scan3A_491 = arith.constant 1 : i32
    %scan3A_492 = scf.for %scan3A_509 = %scan3A_488 to %scan3A_490 step %scan3A_491 iter_args(%scan3A_510 = %scan3A_487) -> (i32)  : i32 {
      %get3A = arith.index_cast %scan3A_509 : i32 to index
      %get3A_511 = arith.constant 0 : index
      %get3A_512 = tpu.vector_load %arg29[%get3A, %get3A_511] {strides = array<i32>} : memref<1600x32xf32, #tpu.memory_space<vmem>>, vector<1x16xf32>,
      %get3A_513 = vector.shape_cast %get3A_512 : vector<1x16xf32> to vector<16xf32>
      %get3A_514 = arith.index_cast %scan3A_509 : i32 to index
      %get3A_515 = arith.constant 0 : index
      %get3A_516 = tpu.vector_load %arg30[%get3A_514, %get3A_515] {strides = array<i32>} : memref<1600x32xf32, #tpu.memory_space<vmem>>, vector<1x16xf32>,
      %get3A_517 = vector.shape_cast %get3A_516 : vector<1x16xf32> to vector<16xf32>
      %add3A_518 = arith.addf %get3A_513, %get3A_517 : vector<16xf32>
      %swap3A = arith.index_cast %scan3A_509 : i32 to index
      %swap3A_519 = arith.constant 0 : index
      %swap3A_520 = tpu.vector_load %arg29[%swap3A, %swap3A_519] {strides = array<i32>} : memref<1600x32xf32, #tpu.memory_space<vmem>>, vector<1x16xf32>,
      %swap3A_521 = vector.shape_cast %swap3A_520 : vector<1x16xf32> to vector<16xf32>
      %swap3A_522 = vector.shape_cast %add3A_518 : vector<16xf32> to vector<1x16xf32>
      tpu.vector_store %arg29[%swap3A, %swap3A_519], %swap3A_522 {strides = array<i32>} : memref<1600x32xf32, #tpu.memory_space<vmem>>, vector<1x16xf32>,
      %get3A_523 = arith.index_cast %scan3A_509 : i32 to index
      %get3A_524 = arith.constant 16 : index
      %get3A_525 = tpu.vector_load %arg29[%get3A_523, %get3A_524] {strides = array<i32>} : memref<1600x32xf32, #tpu.memory_space<vmem>>, vector<1x16xf32>,
      %get3A_526 = vector.shape_cast %get3A_525 : vector<1x16xf32> to vector<16xf32>
      %get3A_527 = arith.index_cast %scan3A_509 : i32 to index
      %get3A_528 = arith.constant 16 : index
      %get3A_529 = tpu.vector_load %arg30[%get3A_527, %get3A_528] {strides = array<i32>} : memref<1600x32xf32, #tpu.memory_space<vmem>>, vector<1x16xf32>,
      %get3A_530 = vector.shape_cast %get3A_529 : vector<1x16xf32> to vector<16xf32>
      %add3A_531 = arith.addf %get3A_526, %get3A_530 : vector<16xf32>
      %swap3A_532 = arith.index_cast %scan3A_509 : i32 to index
      %swap3A_533 = arith.constant 16 : index
      %swap3A_534 = tpu.vector_load %arg29[%swap3A_532, %swap3A_533] {strides = array<i32>} : memref<1600x32xf32, #tpu.memory_space<vmem>>, vector<1x16xf32>,
      %swap3A_535 = vector.shape_cast %swap3A_534 : vector<1x16xf32> to vector<16xf32>
      %swap3A_536 = vector.shape_cast %add3A_531 : vector<16xf32> to vector<1x16xf32>
      tpu.vector_store %arg29[%swap3A_532, %swap3A_533], %swap3A_536 {strides = array<i32>} : memref<1600x32xf32, #tpu.memory_space<vmem>>, vector<1x16xf32>,
      %scan3A_537 = arith.constant 0 : i32
      scf.yield %scan3A_537 : i32
    }
    %scan3A_493 = arith.constant 1600 : i32
    %dma_wait3A_494 = tpu.memref_slice %arg2[%add3A_470] : memref<1331200xi32, #tpu.memory_space<hbm>> -> memref<1600xi32, #tpu.memory_space<hbm>>
    %dma_wait3A_495 = tpu.memref_slice %arg2[%add3A_470] : memref<1331200xi32, #tpu.memory_space<hbm>> -> memref<1600xi32, #tpu.memory_space<hbm>>
    tpu.wait_dma2 semaphore(%arg31 : memref<!tpu.dma_semaphore, #tpu.memory_space<semaphore_mem>>) src(%dma_wait3A_495 : memref<1600xi32, #tpu.memory_space<hbm>>) dst(%arg28 : memref<1600xi32, #tpu.memory_space<vmem>>)
    %dma_start3A_496 = arith.constant 0 : i32
    %dma_start3A_497 = arith.constant 0 : i32
    %dma_start3A_498 = tpu.memref_slice %arg3[%dma_start3A_496, %dma_start3A_497] : memref<2300000x32xf32, #tpu.memory_space<hbm>> -> memref<2300000x32xf32, #tpu.memory_space<hbm>>
    tpu.enqueue_indirect_dma source(%dma_start3A_498 : memref<2300000x32xf32, #tpu.memory_space<hbm>>) target(%arg30 : memref<1600x32xf32, #tpu.memory_space<vmem>>) offsets(%arg28 : memref<1600xi32, #tpu.memory_space<vmem>>) semaphore(%arg32 : memref<!tpu.dma_semaphore, #tpu.memory_space<semaphore_mem>>)
    %dma_wait3A_499 = arith.constant 0 : i32
    %dma_wait3A_500 = arith.constant 0 : i32
    %dma_wait3A_501 = tpu.memref_slice %arg3[%dma_wait3A_499, %dma_wait3A_500] : memref<2300000x32xf32, #tpu.memory_space<hbm>> -> memref<2300000x32xf32, #tpu.memory_space<hbm>>
    tpu.wait_indirect_dma semaphore(%arg32 : memref<!tpu.dma_semaphore, #tpu.memory_space<semaphore_mem>>) src(%dma_wait3A_501 : memref<2300000x32xf32, #tpu.memory_space<hbm>>) dst(%arg30 : memref<1600x32xf32, #tpu.memory_space<vmem>>)
    %scan3A_502 = arith.constant 0 : i32
    %scan3A_503 = arith.constant 0 : i32
    %scan3A_504 = arith.constant 1600 : i32
    %scan3A_505 = arith.addi %scan3A_503, %scan3A_504 : i32
    %scan3A_506 = arith.constant 1 : i32
    %scan3A_507 = scf.for %scan3A_509 = %scan3A_503 to %scan3A_505 step %scan3A_506 iter_args(%scan3A_510 = %scan3A_502) -> (i32)  : i32 {
      %get3A = arith.index_cast %scan3A_509 : i32 to index
      %get3A_511 = arith.constant 0 : index
      %get3A_512 = tpu.vector_load %arg29[%get3A, %get3A_511] {strides = array<i32>} : memref<1600x32xf32, #tpu.memory_space<vmem>>, vector<1x16xf32>,
      %get3A_513 = vector.shape_cast %get3A_512 : vector<1x16xf32> to vector<16xf32>
      %get3A_514 = arith.index_cast %scan3A_509 : i32 to index
      %get3A_515 = arith.constant 0 : index
      %get3A_516 = tpu.vector_load %arg30[%get3A_514, %get3A_515] {strides = array<i32>} : memref<1600x32xf32, #tpu.memory_space<vmem>>, vector<1x16xf32>,
      %get3A_517 = vector.shape_cast %get3A_516 : vector<1x16xf32> to vector<16xf32>
      %add3A_518 = arith.addf %get3A_513, %get3A_517 : vector<16xf32>
      %swap3A = arith.index_cast %scan3A_509 : i32 to index
      %swap3A_519 = arith.constant 0 : index
      %swap3A_520 = tpu.vector_load %arg29[%swap3A, %swap3A_519] {strides = array<i32>} : memref<1600x32xf32, #tpu.memory_space<vmem>>, vector<1x16xf32>,
      %swap3A_521 = vector.shape_cast %swap3A_520 : vector<1x16xf32> to vector<16xf32>
      %swap3A_522 = vector.shape_cast %add3A_518 : vector<16xf32> to vector<1x16xf32>
      tpu.vector_store %arg29[%swap3A, %swap3A_519], %swap3A_522 {strides = array<i32>} : memref<1600x32xf32, #tpu.memory_space<vmem>>, vector<1x16xf32>,
      %get3A_523 = arith.index_cast %scan3A_509 : i32 to index
      %get3A_524 = arith.constant 16 : index
      %get3A_525 = tpu.vector_load %arg29[%get3A_523, %get3A_524] {strides = array<i32>} : memref<1600x32xf32, #tpu.memory_space<vmem>>, vector<1x16xf32>,
      %get3A_526 = vector.shape_cast %get3A_525 : vector<1x16xf32> to vector<16xf32>
      %get3A_527 = arith.index_cast %scan3A_509 : i32 to index
      %get3A_528 = arith.constant 16 : index
      %get3A_529 = tpu.vector_load %arg30[%get3A_527, %get3A_528] {strides = array<i32>} : memref<1600x32xf32, #tpu.memory_space<vmem>>, vector<1x16xf32>,
      %get3A_530 = vector.shape_cast %get3A_529 : vector<1x16xf32> to vector<16xf32>
      %add3A_531 = arith.addf %get3A_526, %get3A_530 : vector<16xf32>
      %swap3A_532 = arith.index_cast %scan3A_509 : i32 to index
      %swap3A_533 = arith.constant 16 : index
      %swap3A_534 = tpu.vector_load %arg29[%swap3A_532, %swap3A_533] {strides = array<i32>} : memref<1600x32xf32, #tpu.memory_space<vmem>>, vector<1x16xf32>,
      %swap3A_535 = vector.shape_cast %swap3A_534 : vector<1x16xf32> to vector<16xf32>
      %swap3A_536 = vector.shape_cast %add3A_531 : vector<16xf32> to vector<1x16xf32>
      tpu.vector_store %arg29[%swap3A_532, %swap3A_533], %swap3A_536 {strides = array<i32>} : memref<1600x32xf32, #tpu.memory_space<vmem>>, vector<1x16xf32>,
      %scan3A_537 = arith.constant 0 : i32
      scf.yield %scan3A_537 : i32
    }
    %scan3A_508 = arith.constant 1600 : i32
    "tpu.region"() ({
      %run_scoped3A = tpu.sem_alloc : memref<!tpu.dma_semaphore, #tpu.memory_space<semaphore_mem>>
      %dma_start3A_509 = arith.constant 0 : i32
      %dma_start3A_510 = tpu.memref_slice %arg26[%mul3A_2, %dma_start3A_509] : memref<51200x32xf32, #tpu.memory_space<hbm>> -> memref<1600x32xf32, #tpu.memory_space<hbm>>
      %dma_start3A_511 = arith.constant 0 : i32
      %dma_start3A_512 = tpu.memref_slice %arg26[%mul3A_2, %dma_start3A_511] : memref<51200x32xf32, #tpu.memory_space<hbm>> -> memref<1600x32xf32, #tpu.memory_space<hbm>>
      tpu.enqueue_dma source(%arg29 : memref<1600x32xf32, #tpu.memory_space<vmem>>) target(%dma_start3A_512 : memref<1600x32xf32, #tpu.memory_space<hbm>>) target_semaphore(%run_scoped3A : memref<!tpu.dma_semaphore, #tpu.memory_space<semaphore_mem>>)
      %dma_wait3A_513 = arith.constant 0 : i32
      %dma_wait3A_514 = tpu.memref_slice %arg26[%mul3A_2, %dma_wait3A_513] : memref<51200x32xf32, #tpu.memory_space<hbm>> -> memref<1600x32xf32, #tpu.memory_space<hbm>>
      %dma_wait3A_515 = arith.constant 0 : i32
      %dma_wait3A_516 = tpu.memref_slice %arg26[%mul3A_2, %dma_wait3A_515] : memref<51200x32xf32, #tpu.memory_space<hbm>> -> memref<1600x32xf32, #tpu.memory_space<hbm>>
      tpu.wait_dma2 semaphore(%run_scoped3A : memref<!tpu.dma_semaphore, #tpu.memory_space<semaphore_mem>>) src(%arg29 : memref<1600x32xf32, #tpu.memory_space<vmem>>) dst(%dma_wait3A_516 : memref<1600x32xf32, #tpu.memory_space<hbm>>)
      tpu.yield
    }) : () -> ()
    return
  }
}

</mosaic_0001>

<sc_bundles>
// kernel: kernel.3.cloned.1.call-start
scs
__scs_entry_jumppad:
0x0: {  	(pc) =	sbr.rel $0x88, $3  }
0x1: {  	(tag) =	ssettag $0x0;
	lr =	simm.s32 $0x1  }
0x2: {  	[smem:$0x3F9F] =	sst lr;
	_ =	strace $0xD0000000  }
0x3: {  	_ = 	snop  }
0x4: {  	_ = 	snop  }
0x5: {  	_ = 	snop  }
0x6: {  	_ = 	snop  }
0x7: {  	_ = 	snop  }
__scs_overlays_trampoline_lowered:
0x8: {  	[smem:$0x3FAE] =	sst s0  }
0x9: {  	[smem:$0x3FAF] =	sst s1  }
0xa: {  	[smem:$0x3FB0] =	sst s2  }
0xb: {  	[smem:$0x3FB1] =	sst s3  }
0xc: {  	[smem:$0x3FB2] =	sst s4  }
0xd: {  	[smem:$0x3FB3] =	sst s5  }
0xe: {  	[smem:$0x3FB4] =	sst s6  }
0xf: {  	[smem:$0x3FB5] =	sst s7  }
0x10: {  	[smem:$0x3FB6] =	sst s8  }
0x11: {  	[smem:$0x3FB7] =	sst s9;
	s0 =	simm.s32 @!p0 $0x0  }
0x12: {  	s1 =	sld [smem:$0x3F9D];
	s0 =	simm.s32 @p0 $0x1  }
0x13: {  	[smem:$0x3FB8] =	sst s0;
	s0 =	simm.s32 @!p1 $0x0  }
0x14: {  	s2 =	sld [smem:$0x3F9C];
	s0 =	simm.s32 @p1 $0x1  }
0x15: {  	[smem:$0x3FB9] =	sst s0;
	s0 =	simm.s32 @!p2 $0x0  }
0x16: {  	s3 =	sld [smem:$0x3FDB];
	s0 =	simm.s32 @p2 $0x1  }
0x17: {  	s4 =	simm.s32 $0x1BF5;
	[smem:$0x3FBB] =	sst s0  }
0x18: {  	s0 =	sld [smem:$0x3F9E];
	_ =	swait.ge [sflag:s4], $0x0  }
0x19: {  	s7 =	sld [smem:$0x3F9F]  }
0x1a: {  	s8 =	sadd.s32 $0xFFFFE003, lr  }
0x1b: {  	s9 =	sadd.s32 $0xFFFFFEF7, lr;
	s5 =	simm.s32 $0xFFFFFFFF;
	p2 =	slt.u32 s8, $0xFFFFF086  }
0x1c: {  	p1 =	slt.u32 s9, $0xF7A;
	s5 =	simm.s32 @!p2 $0x0  }
0x1d: {  	s5 =	simm.s32 @p1 $0x1;
	p0 =	seq.s32 s7, s2  }
0x1e: {  	s7 =	smul.u32 @!p0 $0xF7A, s2;
	p2 =	seq.s32 @!p0 s5, $0x0  }
0x1f: {  	s9 =	smul.u32 $0xF7A, s1;
	s8 =	simm.s32 @!p0 $0x1BF5;
	p2 =	por !p2, p0  }
0x20: {  	[sflag:s8] =	ssyncset.s32 @!p0 $0xFFFFF086;
	s6 =	sadd.s32 @!p0 s3, s7;
	s7 =	simm.s32 @!p0 $0x108  }
0x21: {  	s3 =	sadd.s32 s3, s9;
	s6 =	sadd.s32 @!p0 $0x88, s6;
	s7 =	simm.s32 @p2 $0x1082  }
0x22: {  	[simem:s7], [sflag:s8] =	dma.local @!p0 [hbm:s6], $0xF7A  }
0x23: {  	s9 =	sor.u32 $0xD0000000, s2;
	s6 =	simm.s32 $0x108;
	_ =	swait.ge @!p0 [sflag:s8], $0x0  }
0x24: {  	s3 =	sadd.s32 $0x88, s3;
	s6 =	simm.s32 @!p1 $0x1082;
	[sflag:s4] =	ssyncset.s32 $0xFFFFF086  }
0x25: {  	[simem:s6], [sflag:s4] =	dma.local [hbm:s3], $0xF7A  }
0x26: {  	[smem:$0x3F9F] =	sst s1;
	(tag) =	ssettag s2;
	_ =	strace s9  }
0x27: {  	s1 =	sld [smem:$0x3FAF]  }
0x28: {  	s2 =	sld [smem:$0x3FB0]  }
0x29: {  	s4 =	sld [smem:$0x3FB2]  }
0x2a: {  	p0 =	seq.s32 s5, $0x0;
	s5 =	sld [smem:$0x3FB3]  }
0x2b: {  	s6 =	sld [smem:$0x3FB4]  }
0x2c: {  	s7 =	sld [smem:$0x3FB5]  }
0x2d: {  	s3 =	simm.s32 $0x108;
	s8 =	sld [smem:$0x3FB6]  }
0x2e: {  	s3 =	simm.s32 @!p0 $0x1082;
	s9 =	sld [smem:$0x3FB7]  }
0x2f: {  	lr =	sadd.s32 s0, s3;
	s0 =	sld [smem:$0x3FAE]  }
0x30: {  	s3 =	sld [smem:$0x3FB1]  }
0x31: {  	[smem:$0x3FBA] =	sst s10  }
0x32: {  	s10 =	sld [smem:$0x3FB8];
	_ =	sdelay $0x3  }
0x33: {  	p0 =	seq.s32 s10, $0x1;
	s10 =	sld [smem:$0x3FBA];
	_ =	sdelay $0x3  }
0x34: {  	[smem:$0x3FBA] =	sst s10  }
0x35: {  	s10 =	sld [smem:$0x3FB9];
	_ =	sdelay $0x3  }
0x36: {  	p1 =	seq.s32 s10, $0x1;
	s10 =	sld [smem:$0x3FBA];
	_ =	sdelay $0x3  }
0x37: {  	[smem:$0x3FBA] =	sst s10  }
0x38: {  	s10 =	sld [smem:$0x3FBB]  }
0x39: {  	_ = 	snop;
	(pc) =	sbr.ind lr, $3  }
0x3a: {  	_ = 	snop  }
0x3b: {  	_ = 	snop  }
0x3c: {  	p2 =	seq.s32 s10, $0x1;
	s10 =	sld [smem:$0x3FBA]  }
0x3d: {  	_ =	shalt  }
0x3e: {  	_ =	shalt  }
0x3f: {  	_ =	shalt  }
0x40: {  	_ =	shalt  }
0x41: {  	_ =	shalt  }
0x42: {  	_ =	shalt  }
0x43: {  	_ =	shalt  }
0x44: {  	_ =	shalt  }
0x45: {  	_ =	shalt  }
0x46: {  	_ =	shalt  }
0x47: {  	_ =	shalt  }
0x48: {  	_ =	shalt  }
0x49: {  	_ =	shalt  }
0x4a: {  	_ =	shalt  }
0x4b: {  	_ =	shalt  }
0x4c: {  	_ =	shalt  }
0x4d: {  	_ =	shalt  }
0x4e: {  	_ =	shalt  }
0x4f: {  	_ =	shalt  }
0x50: {  	_ =	shalt  }
0x51: {  	_ =	shalt  }
0x52: {  	_ =	shalt  }
0x53: {  	_ =	shalt  }
0x54: {  	_ =	shalt  }
0x55: {  	_ =	shalt  }
0x56: {  	_ =	shalt  }
0x57: {  	_ =	shalt  }
0x58: {  	_ =	shalt  }
0x59: {  	_ =	shalt  }
0x5a: {  	_ =	shalt  }
0x5b: {  	_ =	shalt  }
0x5c: {  	_ =	shalt  }
0x5d: {  	_ =	shalt  }
0x5e: {  	_ =	shalt  }
0x5f: {  	_ =	shalt  }
0x60: {  	_ =	shalt  }
0x61: {  	_ =	shalt  }
0x62: {  	_ =	shalt  }
0x63: {  	_ =	shalt  }
0x64: {  	_ =	shalt  }
0x65: {  	_ =	shalt  }
0x66: {  	_ =	shalt  }
0x67: {  	_ =	shalt  }
0x68: {  	_ =	shalt  }
0x69: {  	_ =	shalt  }
0x6a: {  	_ =	shalt  }
0x6b: {  	_ =	shalt  }
0x6c: {  	_ =	shalt  }
0x6d: {  	_ =	shalt  }
0x6e: {  	_ =	shalt  }
0x6f: {  	_ =	shalt  }
0x70: {  	_ =	shalt  }
0x71: {  	_ =	shalt  }
0x72: {  	_ =	shalt  }
0x73: {  	_ =	shalt  }
0x74: {  	_ =	shalt  }
0x75: {  	_ =	shalt  }
0x76: {  	_ =	shalt  }
0x77: {  	_ =	shalt  }
0x78: {  	_ =	shalt  }
0x79: {  	_ =	shalt  }
0x7a: {  	_ =	shalt  }
0x7b: {  	_ =	shalt  }
0x7c: {  	_ =	shalt  }
0x7d: {  	_ =	shalt  }
0x7e: {  	_ =	shalt  }
0x7f: {  	_ =	shalt  }
0x80: {  	_ =	shalt  }
0x81: {  	_ =	shalt  }
0x82: {  	_ =	shalt  }
0x83: {  	_ =	shalt  }
0x84: {  	_ =	shalt  }
0x85: {  	_ =	shalt  }
0x86: {  	_ =	shalt  }
0x87: {  	_ =	shalt  }
.Lfunc_end0:
.L_simem_size_0:
called_computation_lowered:
.L_overlay_start_0:
0x88: {  	s2 =	sld [smem:$0x3FD9]  }
0x89: {  	s3 =	sld [smem:$0x3FFE];
	_ =	sdelay $0x1  }
0x8a: {  	s1 =	srdreg.scid  }
0x8b: {  	s0 =	sand.u32 $0x1, s1  }
0x8c: {  	s23 =	sshll.u32 s0, $0xA;
	s2 =	sadd.s32 s3, s2  }
0x8d: {  	s2 =	sadd.s32 s2, s23  }
0x8e: {  	[smem:$0x3FC6] =	sst s2  }
0x8f: {  	_ = 	snop  }
0x90: {  	s8 =	sld [smem:$0x3FD0];
	_ =	sdelay $0x3  }
0x91: {  	s13 =	simm.s32 $0xA;
	s9 =	simm.s32 $0x10;
	s24 =	sadd.s32 $0x1, s8  }
0x92: {  	[smem:s9], [sflag:s13] =	dma.local [hbm:s24], $0x1  }
0x93: {  	_ =	swait.eq [sflag:s13], $0x1  }
0x94: {  	s7 =	sld [smem:$0x12]  }
0x95: {  	s2 =	sld [smem:$0x13]  }
0x96: {  	s3 =	sld [smem:$0x14]  }
0x97: {  	s4 =	sld [smem:$0x15];
	[sflag:s13] =	ssyncset.done $0x0  }
0x98: {  	s5 =	sld [smem:$0x16];
	[sflag:s13] =	ssyncadd.s32 $0xFFFFFFFF  }
0x99: {  	s8 =	sadd.s32 $0x2, s8;
	s6 =	sld [smem:$0x17]  }
0x9a: {  	[smem:s9], [sflag:s13] =	dma.local [hbm:s8], $0x1  }
0x9b: {  	_ =	swait.eq [sflag:s13], $0x1  }
0x9c: {  	s8 =	sld [smem:$0x10]  }
0x9d: {  	s9 =	sld [smem:$0x11]  }
0x9e: {  	s10 =	sld [smem:$0x12]  }
0x9f: {  	s11 =	sld [smem:$0x13]  }
0xa0: {  	s12 =	sld [smem:$0x14];
	[sflag:s13] =	ssyncset.done $0x0  }
0xa1: {  	s14 =	sld [smem:$0x15];
	[sflag:s13] =	ssyncadd.s32 $0xFFFFFFFF  }
0xa2: {  	s15 =	sld [smem:$0x16];
	(tm) =	ssettm $0x1  }
0xa3: {  	s25 =	sld [smem:$0x3FFB];
	_ =	sdelay $0x3  }
0xa4: {  	_ =	strace s25  }
0xa5: {  	s13 =	sld [smem:$0x3FFC];
	_ =	sdelay $0x3  }
0xa6: {  	_ =	strace s13  }
0xa7: {  	s13 =	sld [smem:$0x3FFD];
	_ =	sdelay $0x3  }
0xa8: {  	_ =	strace s13  }
0xa9: {  	_ =	strace $0x8FFFFFFF  }
0xaa: {  	s26 =	sld [smem:$0x3FDB];
	_ =	sdelay $0x1  }
0xab: {  	s16 =	simm.s32 $_scs_section_size  }
0xac: {  	s17 =	simm.s32 $_size__tile_task_arg_handler_lowered;
	s18 =	simm.s32 $_tile_task_arg_handler_lowered  }
0xad: {  	s30 =	simm.s32 $0x1BFF;
	s29 =	sshll.u32 s18, $0x1;
	s16 =	sadd.s32 s16, s26  }
0xae: {  	s19 =	simm.s32 $0x60;
	s28 =	sshll.u32 s17, $0x1;
	s17 =	sadd.s32 s29, s16  }
0xaf: {  	[timem:s19], [sflag:s30] =	dma.local [hbm:s17], s28  }
0xb0: {  	_ =	swait.ge [sflag:s30], s28  }
0xb1: {  	s31 =	simm.s32 $_tile_overlayer_lowered;
	s13 =	ssub.s32 $0x0, s28;
	[sflag:s30] =	ssyncset.done $0x0  }
0xb2: {  	s19 =	simm.s32 $_size__tile_overlayer_lowered;
	s17 =	sshll.u32 s31, $0x1;
	[sflag:s30] =	ssyncadd.s32 s13  }
0xb3: {  	s21 =	simm.s32 $0x0;
	s20 =	sshll.u32 s19, $0x1;
	s17 =	sadd.s32 s17, s16  }
0xb4: {  	[timem:s21], [sflag:s30] =	dma.local [hbm:s17], s20  }
0xb5: {  	_ =	swait.ge [sflag:s30], s20  }
0xb6: {  	s22 =	ssub.s32 $0x0, s20;
	[sflag:s30] =	ssyncset.done $0x0  }
0xb7: {  	[sflag:s30] =	ssyncadd.s32 s22;
	_ =	sdelay $0x1  }
0xb8: {  	s23 =	simm.s32 $0x1B8B  }
0xb9: {  	_ =	swait.ge [sflag:s23], $0x1  }
0xba: {  	[sflag:s23] =	ssyncset.done $0x0  }
0xbb: {  	s25 =	simm.s32 $0x1B8E;
	s24 =	sld [smem:$0x3FFE];
	[sflag:s23] =	ssyncadd.s32 $0xFFFFFFFF  }
0xbc: {  	s26 =	simm.s32 $execute0_lowered;
	[smem:$0x3FD2] =	sst s25  }
0xbd: {  	s18 =	sshll.u32 s26, $0x1;
	_ =	strace $0x80000046;
	[dreg:$0x1] =	wrdreg $0xFFFFFFFF  }
0xbe: {  	s16 =	sadd.s32 s16, s18;
	s28 =	simm.s32 $_size_execute0_lowered;
	[dreg:$0x0] =	wrdreg $0x0  }
0xbf: {  	s18 =	sshll.u32 s28, $0x1;
	[dreg:$0x2] =	wrdreg s16  }
0xc0: {  	[dreg:$0x3] =	wrdreg s18  }
0xc1: {  	[dreg:$0x4] =	wrdreg $0xC0  }
0xc2: {  	_ =	task [dreg:s21], $0x5FFFF  }
0xc3: {  	[dreg:$0x1] =	wrdreg $0xFFFFFFFF  }
0xc4: {  	[dreg:$0x0] =	wrdreg $0x30  }
0xc5: {  	[dreg:$0x2] =	wrdreg $0x0  }
0xc6: {  	[dreg:$0x3] =	wrdreg $0x9  }
0xc7: {  	_ =	task [dreg:s21], $0x4FFFF  }
0xc8: {  	[dreg:$0x1] =	wrdreg $0xFFFFFFFF  }
0xc9: {  	[dreg:$0x0] =	wrdreg $0x60  }
0xca: {  	[dreg:$0x2] =	wrdreg s7  }
0xcb: {  	[dreg:$0x3] =	wrdreg s24  }
0xcc: {  	[dreg:$0x4] =	wrdreg s15  }
0xcd: {  	[dreg:$0x5] =	wrdreg s14  }
0xce: {  	[dreg:$0x6] =	wrdreg s12  }
0xcf: {  	[dreg:$0x7] =	wrdreg s11  }
0xd0: {  	[dreg:$0x8] =	wrdreg s10  }
0xd1: {  	[dreg:$0x9] =	wrdreg s9  }
0xd2: {  	[dreg:$0xa] =	wrdreg s8  }
0xd3: {  	[dreg:$0xb] =	wrdreg s6  }
0xd4: {  	[dreg:$0xc] =	wrdreg s5  }
0xd5: {  	[dreg:$0xd] =	wrdreg s4  }
0xd6: {  	[dreg:$0xe] =	wrdreg s3  }
0xd7: {  	[dreg:$0xf] =	wrdreg s2  }
0xd8: {  	_ =	task.clear_ibuf [dreg:s21], $0x10FFFF;
	_ =	strace $0x90000046  }
0xd9: {  	s29 =	simm.s32 $0x9;
	_ =	strace $0x80000048  }
0xda: {  	_ =	swait.ge [sflag:s29], $0x1  }
0xdb: {  	[sflag:s29] =	ssyncadd.s32 $0xFFFFFFFF  }
0xdc: {  	_ =	strace $0x90000048  }
0xdd: {  	_ =	sfence  }
0xde: {  	s30 =	sld [smem:$0x0];
	_ =	sdelay $0x2  }
0xdf: {  	s31 =	sshll.u32 s1, $0xD;
	s1 =	sshrl.u32 s1, $0x2  }
0xe0: {  	s3 =	sand.u32 $0x4000, s31;
	s1 =	sadd.s32 s1, s30  }
0xe1: {  	s0 =	sor.u32 s3, s0;
	s1 =	sshll.u32 s1, $0x11  }
0xe2: {  	s0 =	sor.u32 s1, s0  }
0xe3: {  	s0 =	sadd.s32 $0x8F2B, s0  }
0xe4: {  	[sflag:s0] =	ssyncadd.remote.s32 $0x1  }
0xe5: {  	_ =	sfence.sel $0xFFFF  }
0xe6: {  	[dreg:$0x0] =	wrdreg $0xFFFFFFFF;
	(pc) =	sbr.abs _section_cstart, $3  }
0xe7: {  	[dreg:$0x1] =	wrdreg $0xFFFFFFFF  }
0xe8: {  	_ =	task.clear_ibuf [dreg:s21], $0x2FFFF;
	_ =	strace $0x9FFFFFFF  }
0xe9: {  	(tm) =	ssettm $0x7FFFFFFF  }
tec
_tile_task_arg_handler_lowered:
.L_overlay_start_1:
0x0: {  	(tag) =	ssettag $0x1  }
0x1: {  	s0 =	rddreg [dreg:$0x0]  }
0x2: {  	s1 =	rddreg [dreg:$0x1]  }
0x3: {  	s2 =	rddreg [dreg:$0x2]  }
0x4: {  	s3 =	rddreg [dreg:$0x3]  }
0x5: {  	s4 =	rddreg [dreg:$0x4]  }
0x6: {  	s5 =	rddreg [dreg:$0x5]  }
0x7: {  	s6 =	rddreg [dreg:$0x6]  }
0x8: {  	s7 =	rddreg [dreg:$0x7]  }
0x9: {  	s8 =	rddreg [dreg:$0x8]  }
0xa: {  	s9 =	rddreg [dreg:$0x9]  }
0xb: {  	s10 =	rddreg [dreg:$0xa]  }
0xc: {  	s11 =	rddreg [dreg:$0xb]  }
0xd: {  	s12 =	rddreg [dreg:$0xc]  }
0xe: {  	s13 =	rddreg [dreg:$0xd]  }
0xf: {  	[smem:s0] =	sst s1  }
0x10: {  	[smem:s0+$0x1] =	sst s2  }
0x11: {  	[smem:s0+$0x2] =	sst s3  }
0x12: {  	[smem:s0+$0x3] =	sst s4  }
0x13: {  	[smem:s0+$0x4] =	sst s5  }
0x14: {  	[smem:s0+$0x5] =	sst s6  }
0x15: {  	[smem:s0+$0x6] =	sst s7  }
0x16: {  	[smem:s0+$0x7] =	sst s8  }
0x17: {  	[smem:s0+$0x8] =	sst s9  }
0x18: {  	[smem:s0+$0x9] =	sst s10  }
0x19: {  	[smem:s0+$0xA] =	sst s11  }
0x1a: {  	[smem:s0+$0xB] =	sst s12  }
0x1b: {  	[smem:s0+$0xC] =	sst s13;
	_ =	shalt  }
.Lfunc_end2:
execute0_lowered:
.L_overlay_start_2:
0x1c: {  	(tag) =	ssettag $0x2  }
0x1d: {  	s0 =	rddreg [dreg:$0x0]  }
0x1e: {  	s1 =	rddreg [dreg:$0x1]  }
0x1f: {  	s5 =	rddreg [dreg:$0x2]  }
0x20: {  	s6 =	rddreg [dreg:$0x3]  }
0x21: {  	s7 =	rddreg [dreg:$0x4]  }
0x22: {  	s8 =	rddreg [dreg:$0x5]  }
0x23: {  	s9 =	rddreg [dreg:$0x6]  }
0x24: {  	s10 =	rddreg [dreg:$0x7]  }
0x25: {  	s11 =	rddreg [dreg:$0x8]  }
0x26: {  	s12 =	rddreg [dreg:$0x9]  }
0x27: {  	s13 =	rddreg [dreg:$0xa]  }
0x28: {  	s14 =	rddreg [dreg:$0xb]  }
0x29: {  	s3 =	srdreg.scid;
	s4 =	stileid.u32;
	s2 =	simm.s32 $0x0  }
0x2a: {  	s3 =	sand.u32 $0x1, s3;
	s4 =	sshll.u32 s4, $0x1;
	[smem:$0x7FF] =	sst s2  }
0x2b: {  	s4 =	sor.u32 s3, s4;
	s17 =	sld [smem:$0x0]  }
0x2c: {  	s15 =	rddreg [dreg:$0xc];
	s18 =	smul.u32 $0x1900, s4  }
0x2d: {  	s16 =	rddreg [dreg:$0xd]  }
0x2e: {  	[dreg:$0xe] =	wrdreg s17;
	s5 =	sadd.s32 s5, s18  }
0x2f: {  	s6 =	sadd.s32 s6, s18;
	_ =	strace $0x80000047;
	[dreg:$0xf] =	wrdreg s5  }
0x30: {  	s20 =	sadd.s32 s8, s18;
	[dreg:$0x10] =	wrdreg s6  }
0x31: {  	s21 =	sadd.s32 s9, s18;
	[dreg:$0x12] =	wrdreg s20  }
0x32: {  	s26 =	ssub.s32 $0x2, s3;
	s22 =	sadd.s32 s10, s18;
	[dreg:$0x13] =	wrdreg s21  }
0x33: {  	s25 =	smul.u32 $0x640, s4;
	s23 =	sadd.s32 s11, s18;
	[dreg:$0x14] =	wrdreg s22  }
0x34: {  	s19 =	sshrl.u32 s26, $0x1;
	s24 =	sadd.s32 s12, s18;
	[dreg:$0x15] =	wrdreg s23  }
0x35: {  	s17 =	sshrl.u32 s25, $0x3;
	s25 =	sadd.s32 s13, s18;
	[dreg:$0x16] =	wrdreg s24  }
0x36: {  	s19 =	ssub.s32 s26, s19;
	s26 =	sadd.s32 s14, s18;
	[dreg:$0x17] =	wrdreg s25  }
0x37: {  	s4 =	sadd.s32 s0, s17;
	s17 =	sadd.s32 s7, s18;
	[dreg:$0x18] =	wrdreg s26  }
0x38: {  	s3 =	sadd.s32 $0x231C400, s1;
	s5 =	sadd.s32 s15, s18;
	[dreg:$0x11] =	wrdreg s17  }
0x39: {  	s1 =	sadd.s32 s18, s1;
	s6 =	sadd.s32 s16, s18;
	[dreg:$0x19] =	wrdreg s5  }
0x3a: {  	s7 =	sadd.s32 $0x35E00, s1;
	[dreg:$0x1a] =	wrdreg s6  }
0x3b: {  	s8 =	sadd.s32 $0x67E00, s1;
	[dreg:$0x1b] =	wrdreg s7  }
0x3c: {  	s9 =	sadd.s32 $0x99E00, s1;
	[dreg:$0x1c] =	wrdreg s8  }
0x3d: {  	s10 =	sadd.s32 $0xCBE00, s1;
	[dreg:$0x1d] =	wrdreg s9  }
0x3e: {  	s11 =	sadd.s32 $0xFDE00, s1;
	[dreg:$0x1e] =	wrdreg s10  }
0x3f: {  	s12 =	sadd.s32 $0x12FE00, s1;
	[dreg:$0x1f] =	wrdreg s11  }
0x40: {  	s28 =	simm.s32 $0x640;
	s13 =	sadd.s32 $0x3E00, s1;
	[smem:$0x7EF] =	sst s12  }
0x41: {  	s29 =	simm.s32 $0xC80;
	s14 =	sadd.s32 $0x161E00, s1;
	[smem:$0x7F0] =	sst s13  }
0x42: {  	s30 =	simm.s32 $0x2;
	s15 =	sadd.s32 $0x193E00, s1;
	[smem:$0x7F1] =	sst s14  }
0x43: {  	s31 =	simm.s32 $0xD480;
	s16 =	sadd.s32 $0x1C5E00, s1;
	[smem:$0x7F2] =	sst s15  }
0x44: {  	s18 =	smax.u32 s19, $0x1;
	s0 =	simm.s32 $0x3;
	[smem:$0x7F3] =	sst s16  }
0x45: {  	s17 =	sadd.s32 $0x1F7E00, s1;
	[smem:$0x7F5] =	sst s18;
	s19 =	sadd.s32 $0x1900, s4  }
0x46: {  	s20 =	sadd.s32 $0x3200, s4;
	s21 =	sadd.s32 $0x4B00, s4;
	[smem:$0x7F4] =	sst s17  }
0x47: {  	s22 =	sadd.s32 $0x6400, s4;
	s23 =	sadd.s32 $0x7D00, s4;
	[smem:$0x7F6] =	sst s19  }
0x48: {  	s24 =	sadd.s32 $0x9600, s4;
	s25 =	sadd.s32 $0xAF00, s4;
	[smem:$0x7F7] =	sst s20  }
0x49: {  	s26 =	sadd.s32 $0xC800, s4;
	s9 =	sadd.s32 $0xE100, s4;
	[smem:$0x7F8] =	sst s21  }
0x4a: {  	s10 =	sadd.s32 $0xFA00, s4;
	s11 =	sadd.s32 $0x11300, s4;
	[smem:$0x7F9] =	sst s22  }
0x4b: {  	s12 =	sadd.s32 $0x12C00, s4;
	s13 =	sadd.s32 $0x14500, s4;
	[smem:$0x7FA] =	sst s23  }
0x4c: {  	s14 =	sadd.s32 $0x15E00, s4;
	s15 =	sadd.s32 $0x17700, s4;
	[smem:$0x7FB] =	sst s24  }
0x4d: {  	s16 =	sadd.s32 $0x19000, s4;
	s18 =	sadd.s32 $0x1C200, s4;
	[smem:$0x7FC] =	sst s25  }
0x4e: {  	s1 =	simm.s32 $0x4;
	s5 =	simm.s32 $0x0;
	[smem:$0x7FD] =	sst s26  }
0x4f: {  	s17 =	sadd.s32 $0x1A900, s4;
	s19 =	sadd.s32 $0x1DB00, s4;
	s20 =	sadd.s32 $0x1F400, s4  }
0x50: {  	s21 =	sadd.s32 $0x20D00, s4;
	s22 =	sadd.s32 $0x22600, s4;
	s23 =	sadd.s32 $0x23F00, s4  }
0x51: {  	s24 =	sadd.s32 $0x25800, s4;
	s25 =	sadd.s32 $0x27100, s4;
	s26 =	simm.s32 $0x1  }
.LBB3_1:
0x52: {  	[tilespmem:s2], [sflag:$0x1] =	stream.linear.gather [hbm4b:s4+s2], $0x640, $0x38;
	[tilespmem:$0x19C80] =	vst v63  }
0x53: {  	_ =	swait.ge [sflag:s26], $0x640  }
0x54: {  	[sflag:s26] =	ssyncset.done $0x0  }
0x55: {  	s6 =	sld [smem:$0x7F6];
	[sflag:s26] =	ssyncadd.s32 $0xFFFFF9C0  }
0x56: {  	[tilespmem:s29], [sflag:$0x2] =	stream.indirect.gather [hbm4b:s3+s28], $0x20, s2, s28, $0xb8;
	[tilespmem:$0x19C80] =	vst v63  }
0x57: {  	_ = 	snop  }
0x58: {  	[tilespmem:s28], [sflag:$0x1] =	stream.linear.gather [hbm4b:s6+s2], $0x640, $0x38;
	[tilespmem:$0x19C80] =	vst v63  }
0x59: {  	_ =	swait.ge [sflag:s30], $0xC800  }
0x5a: {  	[sflag:s30] =	ssyncset.done $0x0  }
0x5b: {  	[sflag:s30] =	ssyncadd.s32 $0xFFFF3800  }
0x5c: {  	_ =	swait.ge [sflag:s26], $0x640  }
0x5d: {  	[sflag:s26] =	ssyncset.done $0x0  }
0x5e: {  	s8 =	sld [smem:$0x7F7];
	[sflag:s26] =	ssyncadd.s32 $0xFFFFF9C0  }
0x5f: {  	[tilespmem:s31], [sflag:$0x2] =	stream.indirect.gather [hbm4b:s3+s28], $0x20, s28, s28, $0xb8;
	[tilespmem:$0x19C80] =	vst v63  }
0x60: {  	_ = 	snop  }
0x61: {  	[tilespmem:s2], [sflag:$0x1] =	stream.linear.gather [hbm4b:s8+s2], $0x640, $0x38;
	[tilespmem:$0x19C80] =	vst v63  }
0x62: {  	s7 =	rddreg [dreg:$0xf]  }
0x63: {  	[hbm4b:s7+s2] =	stream.linear.scatter [tilespmem:s29], [sflag:$0x3], $0xC800, $0x38;
	[tilespmem:$0x19C80] =	vst v63  }
0x64: {  	_ =	swait.ge [sflag:s30], $0xC800  }
0x65: {  	[sflag:s30] =	ssyncset.done $0x0  }
0x66: {  	[sflag:s30] =	ssyncadd.s32 $0xFFFF3800  }
0x67: {  	_ =	swait.ge [sflag:s26], $0x640  }
0x68: {  	[sflag:s26] =	ssyncset.done $0x0  }
0x69: {  	[sflag:s26] =	ssyncadd.s32 $0xFFFFF9C0  }
0x6a: {  	_ =	swait.ge [sflag:s0], $0xC800  }
0x6b: {  	[sflag:s0] =	ssyncset.done $0x0  }
0x6c: {  	s8 =	sld [smem:$0x7F8];
	[sflag:s0] =	ssyncadd.s32 $0xFFFF3800  }
0x6d: {  	[tilespmem:s29], [sflag:$0x2] =	stream.indirect.gather [hbm4b:s3+s28], $0x20, s2, s28, $0xb8;
	[tilespmem:$0x19C80] =	vst v63  }
0x6e: {  	_ = 	snop  }
0x6f: {  	[tilespmem:s28], [sflag:$0x1] =	stream.linear.gather [hbm4b:s8+s2], $0x640, $0x38;
	[tilespmem:$0x19C80] =	vst v63  }
0x70: {  	s7 =	rddreg [dreg:$0x10]  }
0x71: {  	[hbm4b:s7+s2] =	stream.linear.scatter [tilespmem:s31], [sflag:$0x3], $0xC800, $0x38;
	[tilespmem:$0x19C80] =	vst v63  }
0x72: {  	_ =	swait.ge [sflag:s30], $0xC800  }
0x73: {  	[sflag:s30] =	ssyncset.done $0x0  }
0x74: {  	[sflag:s30] =	ssyncadd.s32 $0xFFFF3800  }
0x75: {  	_ =	swait.ge [sflag:s26], $0x640  }
0x76: {  	[sflag:s26] =	ssyncset.done $0x0  }
0x77: {  	[sflag:s26] =	ssyncadd.s32 $0xFFFFF9C0  }
0x78: {  	_ =	swait.ge [sflag:s0], $0xC800  }
0x79: {  	[sflag:s0] =	ssyncset.done $0x0  }
0x7a: {  	s8 =	sld [smem:$0x7F9];
	[sflag:s0] =	ssyncadd.s32 $0xFFFF3800  }
0x7b: {  	[tilespmem:s31], [sflag:$0x2] =	stream.indirect.gather [hbm4b:s3+s28], $0x20, s28, s28, $0xb8;
	[tilespmem:$0x19C80] =	vst v63  }
0x7c: {  	_ = 	snop  }
0x7d: {  	[tilespmem:s2], [sflag:$0x1] =	stream.linear.gather [hbm4b:s8+s2], $0x640, $0x38;
	[tilespmem:$0x19C80] =	vst v63  }
0x7e: {  	s7 =	rddreg [dreg:$0x11]  }
0x7f: {  	[hbm4b:s7+s2] =	stream.linear.scatter [tilespmem:s29], [sflag:$0x3], $0xC800, $0x38;
	[tilespmem:$0x19C80] =	vst v63  }
0x80: {  	_ =	swait.ge [sflag:s30], $0xC800  }
0x81: {  	[sflag:s30] =	ssyncset.done $0x0  }
0x82: {  	[sflag:s30] =	ssyncadd.s32 $0xFFFF3800  }
0x83: {  	_ =	swait.ge [sflag:s26], $0x640  }
0x84: {  	[sflag:s26] =	ssyncset.done $0x0  }
0x85: {  	[sflag:s26] =	ssyncadd.s32 $0xFFFFF9C0  }
0x86: {  	_ =	swait.ge [sflag:s0], $0xC800  }
0x87: {  	[sflag:s0] =	ssyncset.done $0x0  }
0x88: {  	s8 =	sld [smem:$0x7FA];
	[sflag:s0] =	ssyncadd.s32 $0xFFFF3800  }
0x89: {  	[tilespmem:s29], [sflag:$0x2] =	stream.indirect.gather [hbm4b:s3+s28], $0x20, s2, s28, $0xb8;
	[tilespmem:$0x19C80] =	vst v63  }
0x8a: {  	_ = 	snop  }
0x8b: {  	[tilespmem:s28], [sflag:$0x1] =	stream.linear.gather [hbm4b:s8+s2], $0x640, $0x38;
	[tilespmem:$0x19C80] =	vst v63  }
0x8c: {  	s7 =	rddreg [dreg:$0x12]  }
0x8d: {  	[hbm4b:s7+s2] =	stream.linear.scatter [tilespmem:s31], [sflag:$0x3], $0xC800, $0x38;
	[tilespmem:$0x19C80] =	vst v63  }
0x8e: {  	_ =	swait.ge [sflag:s30], $0xC800  }
0x8f: {  	[sflag:s30] =	ssyncset.done $0x0  }
0x90: {  	[sflag:s30] =	ssyncadd.s32 $0xFFFF3800  }
0x91: {  	_ =	swait.ge [sflag:s26], $0x640  }
0x92: {  	[sflag:s26] =	ssyncset.done $0x0  }
0x93: {  	[sflag:s26] =	ssyncadd.s32 $0xFFFFF9C0  }
0x94: {  	_ =	swait.ge [sflag:s0], $0xC800  }
0x95: {  	[sflag:s0] =	ssyncset.done $0x0  }
0x96: {  	s8 =	sld [smem:$0x7FB];
	[sflag:s0] =	ssyncadd.s32 $0xFFFF3800  }
0x97: {  	[tilespmem:s31], [sflag:$0x2] =	stream.indirect.gather [hbm4b:s3+s28], $0x20, s28, s28, $0xb8;
	[tilespmem:$0x19C80] =	vst v63  }
0x98: {  	_ = 	snop  }
0x99: {  	[tilespmem:s2], [sflag:$0x1] =	stream.linear.gather [hbm4b:s8+s2], $0x640, $0x38;
	[tilespmem:$0x19C80] =	vst v63  }
0x9a: {  	s7 =	rddreg [dreg:$0x13]  }
0x9b: {  	[hbm4b:s7+s2] =	stream.linear.scatter [tilespmem:s29], [sflag:$0x3], $0xC800, $0x38;
	[tilespmem:$0x19C80] =	vst v63  }
0x9c: {  	_ =	swait.ge [sflag:s30], $0xC800  }
0x9d: {  	[sflag:s30] =	ssyncset.done $0x0  }
0x9e: {  	[sflag:s30] =	ssyncadd.s32 $0xFFFF3800  }
0x9f: {  	_ =	swait.ge [sflag:s26], $0x640  }
0xa0: {  	[sflag:s26] =	ssyncset.done $0x0  }
0xa1: {  	[sflag:s26] =	ssyncadd.s32 $0xFFFFF9C0  }
0xa2: {  	_ =	swait.ge [sflag:s0], $0xC800  }
0xa3: {  	[sflag:s0] =	ssyncset.done $0x0  }
0xa4: {  	s8 =	sld [smem:$0x7FC];
	[sflag:s0] =	ssyncadd.s32 $0xFFFF3800  }
0xa5: {  	[tilespmem:s29], [sflag:$0x2] =	stream.indirect.gather [hbm4b:s3+s28], $0x20, s2, s28, $0xb8;
	[tilespmem:$0x19C80] =	vst v63  }
0xa6: {  	_ = 	snop  }
0xa7: {  	[tilespmem:s28], [sflag:$0x1] =	stream.linear.gather [hbm4b:s8+s2], $0x640, $0x38;
	[tilespmem:$0x19C80] =	vst v63  }
0xa8: {  	s7 =	rddreg [dreg:$0x14]  }
0xa9: {  	[hbm4b:s7+s2] =	stream.linear.scatter [tilespmem:s31], [sflag:$0x3], $0xC800, $0x38;
	[tilespmem:$0x19C80] =	vst v63  }
0xaa: {  	_ =	swait.ge [sflag:s30], $0xC800  }
0xab: {  	[sflag:s30] =	ssyncset.done $0x0  }
0xac: {  	[sflag:s30] =	ssyncadd.s32 $0xFFFF3800  }
0xad: {  	_ =	swait.ge [sflag:s26], $0x640  }
0xae: {  	[sflag:s26] =	ssyncset.done $0x0  }
0xaf: {  	[sflag:s26] =	ssyncadd.s32 $0xFFFFF9C0  }
0xb0: {  	_ =	swait.ge [sflag:s0], $0xC800  }
0xb1: {  	[sflag:s0] =	ssyncset.done $0x0  }
0xb2: {  	s8 =	sld [smem:$0x7FD];
	[sflag:s0] =	ssyncadd.s32 $0xFFFF3800  }
0xb3: {  	[tilespmem:s31], [sflag:$0x2] =	stream.indirect.gather [hbm4b:s3+s28], $0x20, s28, s28, $0xb8;
	[tilespmem:$0x19C80] =	vst v63  }
0xb4: {  	_ = 	snop  }
0xb5: {  	[tilespmem:s2], [sflag:$0x1] =	stream.linear.gather [hbm4b:s8+s2], $0x640, $0x38;
	[tilespmem:$0x19C80] =	vst v63  }
0xb6: {  	s7 =	rddreg [dreg:$0x15]  }
0xb7: {  	[hbm4b:s7+s2] =	stream.linear.scatter [tilespmem:s29], [sflag:$0x3], $0xC800, $0x38;
	[tilespmem:$0x19C80] =	vst v63  }
0xb8: {  	_ =	swait.ge [sflag:s30], $0xC800  }
0xb9: {  	[sflag:s30] =	ssyncset.done $0x0  }
0xba: {  	[sflag:s30] =	ssyncadd.s32 $0xFFFF3800  }
0xbb: {  	_ =	swait.ge [sflag:s26], $0x640  }
0xbc: {  	[sflag:s26] =	ssyncset.done $0x0  }
0xbd: {  	[sflag:s26] =	ssyncadd.s32 $0xFFFFF9C0  }
0xbe: {  	_ =	swait.ge [sflag:s0], $0xC800  }
0xbf: {  	[sflag:s0] =	ssyncset.done $0x0  }
0xc0: {  	[sflag:s0] =	ssyncadd.s32 $0xFFFF3800  }
0xc1: {  	[tilespmem:s29], [sflag:$0x2] =	stream.indirect.gather [hbm4b:s3+s28], $0x20, s2, s28, $0xb8;
	[tilespmem:$0x19C80] =	vst v63  }
0xc2: {  	_ = 	snop  }
0xc3: {  	[tilespmem:s28], [sflag:$0x1] =	stream.linear.gather [hbm4b:s9+s2], $0x640, $0x38;
	[tilespmem:$0x19C80] =	vst v63  }
0xc4: {  	s8 =	rddreg [dreg:$0x16]  }
0xc5: {  	[hbm4b:s8+s2] =	stream.linear.scatter [tilespmem:s31], [sflag:$0x3], $0xC800, $0x38;
	[tilespmem:$0x19C80] =	vst v63  }
0xc6: {  	_ =	swait.ge [sflag:s30], $0xC800  }
0xc7: {  	[sflag:s30] =	ssyncset.done $0x0  }
0xc8: {  	[sflag:s30] =	ssyncadd.s32 $0xFFFF3800  }
0xc9: {  	_ =	swait.ge [sflag:s26], $0x640  }
0xca: {  	[sflag:s26] =	ssyncset.done $0x0  }
0xcb: {  	[sflag:s26] =	ssyncadd.s32 $0xFFFFF9C0  }
0xcc: {  	_ =	swait.ge [sflag:s0], $0xC800  }
0xcd: {  	[sflag:s0] =	ssyncset.done $0x0  }
0xce: {  	[sflag:s0] =	ssyncadd.s32 $0xFFFF3800  }
0xcf: {  	[tilespmem:s31], [sflag:$0x2] =	stream.indirect.gather [hbm4b:s3+s28], $0x20, s28, s28, $0xb8;
	[tilespmem:$0x19C80] =	vst v63  }
0xd0: {  	_ = 	snop  }
0xd1: {  	[tilespmem:s2], [sflag:$0x1] =	stream.linear.gather [hbm4b:s10+s2], $0x640, $0x38;
	[tilespmem:$0x19C80] =	vst v63  }
0xd2: {  	s7 =	rddreg [dreg:$0x17]  }
0xd3: {  	[hbm4b:s7+s2] =	stream.linear.scatter [tilespmem:s29], [sflag:$0x3], $0xC800, $0x38;
	[tilespmem:$0x19C80] =	vst v63  }
0xd4: {  	_ =	swait.ge [sflag:s30], $0xC800  }
0xd5: {  	[sflag:s30] =	ssyncset.done $0x0  }
0xd6: {  	[sflag:s30] =	ssyncadd.s32 $0xFFFF3800  }
0xd7: {  	_ =	swait.ge [sflag:s26], $0x640  }
0xd8: {  	[sflag:s26] =	ssyncset.done $0x0  }
0xd9: {  	[sflag:s26] =	ssyncadd.s32 $0xFFFFF9C0  }
0xda: {  	_ =	swait.ge [sflag:s0], $0xC800  }
0xdb: {  	[sflag:s0] =	ssyncset.done $0x0  }
0xdc: {  	[sflag:s0] =	ssyncadd.s32 $0xFFFF3800  }
0xdd: {  	[tilespmem:s29], [sflag:$0x2] =	stream.indirect.gather [hbm4b:s3+s28], $0x20, s2, s28, $0xb8;
	[tilespmem:$0x19C80] =	vst v63  }
0xde: {  	_ = 	snop  }
0xdf: {  	[tilespmem:s28], [sflag:$0x1] =	stream.linear.gather [hbm4b:s11+s2], $0x640, $0x38;
	[tilespmem:$0x19C80] =	vst v63  }
0xe0: {  	s8 =	rddreg [dreg:$0x18]  }
0xe1: {  	[hbm4b:s8+s2] =	stream.linear.scatter [tilespmem:s31], [sflag:$0x3], $0xC800, $0x38;
	[tilespmem:$0x19C80] =	vst v63  }
0xe2: {  	_ =	swait.ge [sflag:s30], $0xC800  }
0xe3: {  	[sflag:s30] =	ssyncset.done $0x0  }
0xe4: {  	[sflag:s30] =	ssyncadd.s32 $0xFFFF3800  }
0xe5: {  	_ =	swait.ge [sflag:s26], $0x640  }
0xe6: {  	[sflag:s26] =	ssyncset.done $0x0  }
0xe7: {  	[sflag:s26] =	ssyncadd.s32 $0xFFFFF9C0  }
0xe8: {  	_ =	swait.ge [sflag:s0], $0xC800  }
0xe9: {  	[sflag:s0] =	ssyncset.done $0x0  }
0xea: {  	[sflag:s0] =	ssyncadd.s32 $0xFFFF3800  }
0xeb: {  	[tilespmem:s31], [sflag:$0x2] =	stream.indirect.gather [hbm4b:s3+s28], $0x20, s28, s28, $0xb8;
	[tilespmem:$0x19C80] =	vst v63  }
0xec: {  	_ = 	snop  }
0xed: {  	[tilespmem:s2], [sflag:$0x1] =	stream.linear.gather [hbm4b:s12+s2], $0x640, $0x38;
	[tilespmem:$0x19C80] =	vst v63  }
0xee: {  	s7 =	rddreg [dreg:$0x19]  }
0xef: {  	[hbm4b:s7+s2] =	stream.linear.scatter [tilespmem:s29], [sflag:$0x3], $0xC800, $0x38;
	[tilespmem:$0x19C80] =	vst v63  }
0xf0: {  	_ =	swait.ge [sflag:s30], $0xC800  }
0xf1: {  	[sflag:s30] =	ssyncset.done $0x0  }
0xf2: {  	[sflag:s30] =	ssyncadd.s32 $0xFFFF3800  }
0xf3: {  	_ =	swait.ge [sflag:s26], $0x640  }
0xf4: {  	[sflag:s26] =	ssyncset.done $0x0  }
0xf5: {  	[sflag:s26] =	ssyncadd.s32 $0xFFFFF9C0  }
0xf6: {  	_ =	swait.ge [sflag:s0], $0xC800  }
0xf7: {  	[sflag:s0] =	ssyncset.done $0x0  }
0xf8: {  	[sflag:s0] =	ssyncadd.s32 $0xFFFF3800  }
0xf9: {  	[tilespmem:s29], [sflag:$0x2] =	stream.indirect.gather [hbm4b:s3+s28], $0x20, s2, s28, $0xb8;
	[tilespmem:$0x19C80] =	vst v63  }
0xfa: {  	_ = 	snop  }
0xfb: {  	[tilespmem:s28], [sflag:$0x1] =	stream.linear.gather [hbm4b:s13+s2], $0x640, $0x38;
	[tilespmem:$0x19C80] =	vst v63  }
0xfc: {  	s8 =	rddreg [dreg:$0x1a]  }
0xfd: {  	[hbm4b:s8+s2] =	stream.linear.scatter [tilespmem:s31], [sflag:$0x3], $0xC800, $0x38;
	[tilespmem:$0x19C80] =	vst v63  }
0xfe: {  	_ =	swait.ge [sflag:s30], $0xC800  }
0xff: {  	[sflag:s30] =	ssyncset.done $0x0  }
0x100: {  	[sflag:s30] =	ssyncadd.s32 $0xFFFF3800  }
0x101: {  	_ =	swait.ge [sflag:s26], $0x640  }
0x102: {  	[sflag:s26] =	ssyncset.done $0x0  }
0x103: {  	[sflag:s26] =	ssyncadd.s32 $0xFFFFF9C0  }
0x104: {  	_ =	swait.ge [sflag:s0], $0xC800  }
0x105: {  	[sflag:s0] =	ssyncset.done $0x0  }
0x106: {  	[sflag:s0] =	ssyncadd.s32 $0xFFFF3800  }
0x107: {  	[tilespmem:s31], [sflag:$0x2] =	stream.indirect.gather [hbm4b:s3+s28], $0x20, s28, s28, $0xb8;
	[tilespmem:$0x19C80] =	vst v63  }
0x108: {  	s7 =	sld [smem:$0x7F0]  }
0x109: {  	[tilespmem:s2], [sflag:$0x1] =	stream.linear.gather [hbm4b:s14+s2], $0x640, $0x38;
	[tilespmem:$0x19C80] =	vst v63  }
0x10a: {  	_ = 	snop  }
0x10b: {  	[hbm4b:s7+s2] =	stream.linear.scatter [tilespmem:s29], [sflag:$0x3], $0xC800, $0x38;
	[tilespmem:$0x19C80] =	vst v63  }
0x10c: {  	_ =	swait.ge [sflag:s30], $0xC800  }
0x10d: {  	[sflag:s30] =	ssyncset.done $0x0  }
0x10e: {  	[sflag:s30] =	ssyncadd.s32 $0xFFFF3800  }
0x10f: {  	_ =	swait.ge [sflag:s26], $0x640  }
0x110: {  	[sflag:s26] =	ssyncset.done $0x0  }
0x111: {  	[sflag:s26] =	ssyncadd.s32 $0xFFFFF9C0  }
0x112: {  	_ =	swait.ge [sflag:s0], $0xC800  }
0x113: {  	[sflag:s0] =	ssyncset.done $0x0  }
0x114: {  	[sflag:s0] =	ssyncadd.s32 $0xFFFF3800  }
0x115: {  	[tilespmem:s29], [sflag:$0x2] =	stream.indirect.gather [hbm4b:s3+s28], $0x20, s2, s28, $0xb8;
	[tilespmem:$0x19C80] =	vst v63  }
0x116: {  	_ = 	snop  }
0x117: {  	[tilespmem:s28], [sflag:$0x1] =	stream.linear.gather [hbm4b:s15+s2], $0x640, $0x38;
	[tilespmem:$0x19C80] =	vst v63  }
0x118: {  	s8 =	rddreg [dreg:$0x1b]  }
0x119: {  	[hbm4b:s8+s2] =	stream.linear.scatter [tilespmem:s31], [sflag:$0x3], $0xC800, $0x38;
	[tilespmem:$0x19C80] =	vst v63  }
0x11a: {  	_ =	swait.ge [sflag:s30], $0xC800  }
0x11b: {  	[sflag:s30] =	ssyncset.done $0x0  }
0x11c: {  	[sflag:s30] =	ssyncadd.s32 $0xFFFF3800  }
0x11d: {  	_ =	swait.ge [sflag:s26], $0x640  }
0x11e: {  	[sflag:s26] =	ssyncset.done $0x0  }
0x11f: {  	[sflag:s26] =	ssyncadd.s32 $0xFFFFF9C0  }
0x120: {  	_ =	swait.ge [sflag:s0], $0xC800  }
0x121: {  	[sflag:s0] =	ssyncset.done $0x0  }
0x122: {  	[sflag:s0] =	ssyncadd.s32 $0xFFFF3800  }
0x123: {  	[tilespmem:s31], [sflag:$0x2] =	stream.indirect.gather [hbm4b:s3+s28], $0x20, s28, s28, $0xb8;
	[tilespmem:$0x19C80] =	vst v63  }
0x124: {  	_ = 	snop  }
0x125: {  	[tilespmem:s2], [sflag:$0x1] =	stream.linear.gather [hbm4b:s16+s2], $0x640, $0x38;
	[tilespmem:$0x19C80] =	vst v63  }
0x126: {  	s7 =	rddreg [dreg:$0x1c]  }
0x127: {  	[hbm4b:s7+s2] =	stream.linear.scatter [tilespmem:s29], [sflag:$0x3], $0xC800, $0x38;
	[tilespmem:$0x19C80] =	vst v63  }
0x128: {  	_ =	swait.ge [sflag:s30], $0xC800  }
0x129: {  	[sflag:s30] =	ssyncset.done $0x0  }
0x12a: {  	[sflag:s30] =	ssyncadd.s32 $0xFFFF3800  }
0x12b: {  	_ =	swait.ge [sflag:s26], $0x640  }
0x12c: {  	[sflag:s26] =	ssyncset.done $0x0  }
0x12d: {  	[sflag:s26] =	ssyncadd.s32 $0xFFFFF9C0  }
0x12e: {  	_ =	swait.ge [sflag:s0], $0xC800  }
0x12f: {  	[sflag:s0] =	ssyncset.done $0x0  }
0x130: {  	[sflag:s0] =	ssyncadd.s32 $0xFFFF3800  }
0x131: {  	[tilespmem:s29], [sflag:$0x2] =	stream.indirect.gather [hbm4b:s3+s28], $0x20, s2, s28, $0xb8;
	[tilespmem:$0x19C80] =	vst v63  }
0x132: {  	_ = 	snop  }
0x133: {  	[tilespmem:s28], [sflag:$0x1] =	stream.linear.gather [hbm4b:s17+s2], $0x640, $0x38;
	[tilespmem:$0x19C80] =	vst v63  }
0x134: {  	s8 =	rddreg [dreg:$0x1d]  }
0x135: {  	[hbm4b:s8+s2] =	stream.linear.scatter [tilespmem:s31], [sflag:$0x3], $0xC800, $0x38;
	[tilespmem:$0x19C80] =	vst v63  }
0x136: {  	_ =	swait.ge [sflag:s30], $0xC800  }
0x137: {  	[sflag:s30] =	ssyncset.done $0x0  }
0x138: {  	[sflag:s30] =	ssyncadd.s32 $0xFFFF3800  }
0x139: {  	_ =	swait.ge [sflag:s26], $0x640  }
0x13a: {  	[sflag:s26] =	ssyncset.done $0x0  }
0x13b: {  	[sflag:s26] =	ssyncadd.s32 $0xFFFFF9C0  }
0x13c: {  	_ =	swait.ge [sflag:s0], $0xC800  }
0x13d: {  	[sflag:s0] =	ssyncset.done $0x0  }
0x13e: {  	[sflag:s0] =	ssyncadd.s32 $0xFFFF3800  }
0x13f: {  	[tilespmem:s31], [sflag:$0x2] =	stream.indirect.gather [hbm4b:s3+s28], $0x20, s28, s28, $0xb8;
	[tilespmem:$0x19C80] =	vst v63  }
0x140: {  	_ = 	snop  }
0x141: {  	[tilespmem:s2], [sflag:$0x1] =	stream.linear.gather [hbm4b:s18+s2], $0x640, $0x38;
	[tilespmem:$0x19C80] =	vst v63  }
0x142: {  	s7 =	rddreg [dreg:$0x1e]  }
0x143: {  	[hbm4b:s7+s2] =	stream.linear.scatter [tilespmem:s29], [sflag:$0x3], $0xC800, $0x38;
	[tilespmem:$0x19C80] =	vst v63  }
0x144: {  	_ =	swait.ge [sflag:s30], $0xC800  }
0x145: {  	[sflag:s30] =	ssyncset.done $0x0  }
0x146: {  	[sflag:s30] =	ssyncadd.s32 $0xFFFF3800  }
0x147: {  	_ =	swait.ge [sflag:s26], $0x640  }
0x148: {  	[sflag:s26] =	ssyncset.done $0x0  }
0x149: {  	[sflag:s26] =	ssyncadd.s32 $0xFFFFF9C0  }
0x14a: {  	_ =	swait.ge [sflag:s0], $0xC800  }
0x14b: {  	[sflag:s0] =	ssyncset.done $0x0  }
0x14c: {  	[sflag:s0] =	ssyncadd.s32 $0xFFFF3800  }
0x14d: {  	[tilespmem:s29], [sflag:$0x2] =	stream.indirect.gather [hbm4b:s3+s28], $0x20, s2, s28, $0xb8;
	[tilespmem:$0x19C80] =	vst v63  }
0x14e: {  	_ = 	snop  }
0x14f: {  	[tilespmem:s28], [sflag:$0x1] =	stream.linear.gather [hbm4b:s19+s2], $0x640, $0x38;
	[tilespmem:$0x19C80] =	vst v63  }
0x150: {  	s8 =	rddreg [dreg:$0x1f]  }
0x151: {  	[hbm4b:s8+s2] =	stream.linear.scatter [tilespmem:s31], [sflag:$0x3], $0xC800, $0x38;
	[tilespmem:$0x19C80] =	vst v63  }
0x152: {  	_ =	swait.ge [sflag:s30], $0xC800  }
0x153: {  	[sflag:s30] =	ssyncset.done $0x0  }
0x154: {  	[sflag:s30] =	ssyncadd.s32 $0xFFFF3800  }
0x155: {  	_ =	swait.ge [sflag:s26], $0x640  }
0x156: {  	[sflag:s26] =	ssyncset.done $0x0  }
0x157: {  	[sflag:s26] =	ssyncadd.s32 $0xFFFFF9C0  }
0x158: {  	_ =	swait.ge [sflag:s0], $0xC800  }
0x159: {  	[sflag:s0] =	ssyncset.done $0x0  }
0x15a: {  	[sflag:s0] =	ssyncadd.s32 $0xFFFF3800  }
0x15b: {  	[tilespmem:s31], [sflag:$0x2] =	stream.indirect.gather [hbm4b:s3+s28], $0x20, s28, s28, $0xb8;
	[tilespmem:$0x19C80] =	vst v63  }
0x15c: {  	s7 =	sld [smem:$0x7EF]  }
0x15d: {  	[tilespmem:s2], [sflag:$0x1] =	stream.linear.gather [hbm4b:s20+s2], $0x640, $0x38;
	[tilespmem:$0x19C80] =	vst v63  }
0x15e: {  	_ = 	snop  }
0x15f: {  	[hbm4b:s7+s2] =	stream.linear.scatter [tilespmem:s29], [sflag:$0x3], $0xC800, $0x38;
	[tilespmem:$0x19C80] =	vst v63  }
0x160: {  	_ =	swait.ge [sflag:s30], $0xC800  }
0x161: {  	[sflag:s30] =	ssyncset.done $0x0  }
0x162: {  	[sflag:s30] =	ssyncadd.s32 $0xFFFF3800  }
0x163: {  	_ =	swait.ge [sflag:s26], $0x640  }
0x164: {  	[sflag:s26] =	ssyncset.done $0x0  }
0x165: {  	[sflag:s26] =	ssyncadd.s32 $0xFFFFF9C0  }
0x166: {  	_ =	swait.ge [sflag:s0], $0xC800  }
0x167: {  	[sflag:s0] =	ssyncset.done $0x0  }
0x168: {  	[sflag:s0] =	ssyncadd.s32 $0xFFFF3800  }
0x169: {  	[tilespmem:s29], [sflag:$0x2] =	stream.indirect.gather [hbm4b:s3+s28], $0x20, s2, s28, $0xb8;
	[tilespmem:$0x19C80] =	vst v63  }
0x16a: {  	s8 =	sld [smem:$0x7F1]  }
0x16b: {  	[tilespmem:s28], [sflag:$0x1] =	stream.linear.gather [hbm4b:s21+s2], $0x640, $0x38;
	[tilespmem:$0x19C80] =	vst v63  }
0x16c: {  	_ = 	snop  }
0x16d: {  	[hbm4b:s8+s2] =	stream.linear.scatter [tilespmem:s31], [sflag:$0x3], $0xC800, $0x38;
	[tilespmem:$0x19C80] =	vst v63  }
0x16e: {  	_ =	swait.ge [sflag:s30], $0xC800  }
0x16f: {  	[sflag:s30] =	ssyncset.done $0x0  }
0x170: {  	[sflag:s30] =	ssyncadd.s32 $0xFFFF3800  }
0x171: {  	_ =	swait.ge [sflag:s26], $0x640  }
0x172: {  	[sflag:s26] =	ssyncset.done $0x0  }
0x173: {  	[sflag:s26] =	ssyncadd.s32 $0xFFFFF9C0  }
0x174: {  	_ =	swait.ge [sflag:s0], $0xC800  }
0x175: {  	[sflag:s0] =	ssyncset.done $0x0  }
0x176: {  	[sflag:s0] =	ssyncadd.s32 $0xFFFF3800  }
0x177: {  	[tilespmem:s31], [sflag:$0x2] =	stream.indirect.gather [hbm4b:s3+s28], $0x20, s28, s28, $0xb8;
	[tilespmem:$0x19C80] =	vst v63  }
0x178: {  	s7 =	sld [smem:$0x7F2]  }
0x179: {  	[tilespmem:s2], [sflag:$0x1] =	stream.linear.gather [hbm4b:s22+s2], $0x640, $0x38;
	[tilespmem:$0x19C80] =	vst v63  }
0x17a: {  	_ = 	snop  }
0x17b: {  	[hbm4b:s7+s2] =	stream.linear.scatter [tilespmem:s29], [sflag:$0x3], $0xC800, $0x38;
	[tilespmem:$0x19C80] =	vst v63  }
0x17c: {  	_ =	swait.ge [sflag:s30], $0xC800  }
0x17d: {  	[sflag:s30] =	ssyncset.done $0x0  }
0x17e: {  	[sflag:s30] =	ssyncadd.s32 $0xFFFF3800  }
0x17f: {  	_ =	swait.ge [sflag:s26], $0x640  }
0x180: {  	[sflag:s26] =	ssyncset.done $0x0  }
0x181: {  	[sflag:s26] =	ssyncadd.s32 $0xFFFFF9C0  }
0x182: {  	_ =	swait.ge [sflag:s0], $0xC800  }
0x183: {  	[sflag:s0] =	ssyncset.done $0x0  }
0x184: {  	[sflag:s0] =	ssyncadd.s32 $0xFFFF3800  }
0x185: {  	[tilespmem:s29], [sflag:$0x2] =	stream.indirect.gather [hbm4b:s3+s28], $0x20, s2, s28, $0xb8;
	[tilespmem:$0x19C80] =	vst v63  }
0x186: {  	s8 =	sld [smem:$0x7F3]  }
0x187: {  	[tilespmem:s28], [sflag:$0x1] =	stream.linear.gather [hbm4b:s23+s2], $0x640, $0x38;
	[tilespmem:$0x19C80] =	vst v63  }
0x188: {  	_ = 	snop  }
0x189: {  	[hbm4b:s8+s2] =	stream.linear.scatter [tilespmem:s31], [sflag:$0x3], $0xC800, $0x38;
	[tilespmem:$0x19C80] =	vst v63  }
0x18a: {  	_ =	swait.ge [sflag:s30], $0xC800  }
0x18b: {  	[sflag:s30] =	ssyncset.done $0x0  }
0x18c: {  	[sflag:s30] =	ssyncadd.s32 $0xFFFF3800  }
0x18d: {  	_ =	swait.ge [sflag:s26], $0x640  }
0x18e: {  	[sflag:s26] =	ssyncset.done $0x0  }
0x18f: {  	[sflag:s26] =	ssyncadd.s32 $0xFFFFF9C0  }
0x190: {  	_ =	swait.ge [sflag:s0], $0xC800  }
0x191: {  	[sflag:s0] =	ssyncset.done $0x0  }
0x192: {  	[sflag:s0] =	ssyncadd.s32 $0xFFFF3800  }
0x193: {  	[tilespmem:s31], [sflag:$0x2] =	stream.indirect.gather [hbm4b:s3+s28], $0x20, s28, s28, $0xb8;
	[tilespmem:$0x19C80] =	vst v63  }
0x194: {  	_ = 	snop  }
0x195: {  	[tilespmem:s2], [sflag:$0x1] =	stream.linear.gather [hbm4b:s24+s2], $0x640, $0x38;
	[tilespmem:$0x19C80] =	vst v63  }
0x196: {  	_ =	swait.ge [sflag:s30], $0xC800  }
0x197: {  	[sflag:s30] =	ssyncset.done $0x0  }
0x198: {  	s6 =	simm.s32 $0x0;
	[sflag:s30] =	ssyncadd.s32 $0xFFFF3800  }
0x199: {  	[tilespmem:s28], [sflag:$0x1] =	stream.linear.gather [hbm4b:s25+s2], $0x640, $0x38;
	[tilespmem:$0x19C80] =	vst v63  }
0x19a: {  	v0 =	vld [tilespmem:s6+$0xD480]  }
0x19b: {  	v1 =	vld [tilespmem:s6+$0xD490]  }
0x19c: {  	s7 =	simm.s32 $0x80;
	v2 =	vld [tilespmem:s6+$0xC80]  }
.LBB3_2:
0x19d: {  	p0 =	sne.s32 s7, $0x31F80;
	v3 =	vld [tilespmem:s6+$0xC90];
	_ =	sdelay $0x2  }
.Ltmp0:
0x19e: {  	(pc) =	sbr.rel @p0 .LBB3_2-.Ltmp0, $4  }
0x19f: {  	s8 =	sshra.s32 s7, $0x2;
	v2 =	vadd.f32 v0, v2  }
0x1a0: {  	v0 =	vld [tilespmem:s8+$0xD480];
	v3 =	vadd.f32 v1, v3  }
0x1a1: {  	v1 =	vld [tilespmem:s8+$0xD490];
	[tilespmem:s6+$0xC80] =	vst v2  }
0x1a2: {  	s7 =	sadd.s32 $0x80, s7;
	v2 =	vld [tilespmem:s8+$0xC80];
	[tilespmem:s6+$0xC90] =	vst v3;
	s6 =	smov.u32 s8  }
0x1a3: {  	v3 =	vld [tilespmem:s6+$0xC90];
	_ =	sdelay $0x3  }
0x1a4: {  	v0 =	vadd.f32 v0, v2  }
0x1a5: {  	v1 =	vadd.f32 v1, v3  }
0x1a6: {  	[tilespmem:s6+$0xC80] =	vst v0  }
0x1a7: {  	[tilespmem:s6+$0xC90] =	vst v1  }
0x1a8: {  	_ =	swait.ge [sflag:s26], $0x640  }
0x1a9: {  	[sflag:s26] =	ssyncset.done $0x0  }
0x1aa: {  	s8 =	simm.s32 $0x0;
	[sflag:s26] =	ssyncadd.s32 $0xFFFFF9C0  }
0x1ab: {  	[tilespmem:s31], [sflag:$0x2] =	stream.indirect.gather [hbm4b:s3+s28], $0x20, s8, s28, $0xb8;
	[tilespmem:$0x19C80] =	vst v63  }
0x1ac: {  	_ =	swait.ge [sflag:s30], $0xC800  }
0x1ad: {  	[sflag:s30] =	ssyncset.done $0x0  }
0x1ae: {  	s6 =	simm.s32 $0x0;
	[sflag:s30] =	ssyncadd.s32 $0xFFFF3800  }
0x1af: {  	v0 =	vld [tilespmem:s6+$0xD480]  }
0x1b0: {  	v1 =	vld [tilespmem:s6+$0xD490]  }
0x1b1: {  	s7 =	simm.s32 $0x80;
	v2 =	vld [tilespmem:s6+$0xC80]  }
.LBB3_4:
0x1b2: {  	p0 =	sne.s32 s7, $0x31F80;
	v3 =	vld [tilespmem:s6+$0xC90];
	_ =	sdelay $0x2  }
.Ltmp1:
0x1b3: {  	(pc) =	sbr.rel @p0 .LBB3_4-.Ltmp1, $4  }
0x1b4: {  	s8 =	sshra.s32 s7, $0x2;
	v2 =	vadd.f32 v0, v2  }
0x1b5: {  	v0 =	vld [tilespmem:s8+$0xD480];
	v3 =	vadd.f32 v1, v3  }
0x1b6: {  	v1 =	vld [tilespmem:s8+$0xD490];
	[tilespmem:s6+$0xC80] =	vst v2  }
0x1b7: {  	s7 =	sadd.s32 $0x80, s7;
	v2 =	vld [tilespmem:s8+$0xC80];
	[tilespmem:s6+$0xC90] =	vst v3;
	s6 =	smov.u32 s8  }
0x1b8: {  	v3 =	vld [tilespmem:s6+$0xC90];
	_ =	sdelay $0x3  }
0x1b9: {  	v0 =	vadd.f32 v0, v2  }
0x1ba: {  	v1 =	vadd.f32 v1, v3  }
0x1bb: {  	[tilespmem:s6+$0xC80] =	vst v0  }
0x1bc: {  	[tilespmem:s6+$0xC90] =	vst v1  }
0x1bd: {  	_ =	swait.ge [sflag:s26], $0x640  }
0x1be: {  	[sflag:s26] =	ssyncset.done $0x0  }
0x1bf: {  	[sflag:s26] =	ssyncadd.s32 $0xFFFFF9C0  }
0x1c0: {  	[tilespmem:s31], [sflag:$0x2] =	stream.indirect.gather [hbm4b:s3+s28], $0x20, s28, s28, $0xb8;
	[tilespmem:$0x19C80] =	vst v63  }
0x1c1: {  	_ =	swait.ge [sflag:s30], $0xC800  }
0x1c2: {  	[sflag:s30] =	ssyncset.done $0x0  }
0x1c3: {  	s6 =	simm.s32 $0x0;
	[sflag:s30] =	ssyncadd.s32 $0xFFFF3800  }
0x1c4: {  	v0 =	vld [tilespmem:s6+$0xD480]  }
0x1c5: {  	v1 =	vld [tilespmem:s6+$0xD490]  }
0x1c6: {  	s7 =	simm.s32 $0x80;
	v2 =	vld [tilespmem:s6+$0xC80]  }
.LBB3_6:
0x1c7: {  	p0 =	sne.s32 s7, $0x31F80;
	v3 =	vld [tilespmem:s6+$0xC90];
	_ =	sdelay $0x2  }
.Ltmp2:
0x1c8: {  	(pc) =	sbr.rel @p0 .LBB3_6-.Ltmp2, $4  }
0x1c9: {  	s8 =	sshra.s32 s7, $0x2;
	v2 =	vadd.f32 v0, v2  }
0x1ca: {  	v0 =	vld [tilespmem:s8+$0xD480];
	v3 =	vadd.f32 v1, v3  }
0x1cb: {  	v1 =	vld [tilespmem:s8+$0xD490];
	[tilespmem:s6+$0xC80] =	vst v2  }
0x1cc: {  	s7 =	sadd.s32 $0x80, s7;
	v2 =	vld [tilespmem:s8+$0xC80];
	[tilespmem:s6+$0xC90] =	vst v3;
	s6 =	smov.u32 s8  }
0x1cd: {  	v3 =	vld [tilespmem:s6+$0xC90];
	_ =	sdelay $0x3  }
0x1ce: {  	v0 =	vadd.f32 v0, v2  }
0x1cf: {  	s7 =	sld [smem:$0x7F4];
	v1 =	vadd.f32 v1, v3  }
0x1d0: {  	[tilespmem:s6+$0xC80] =	vst v0  }
0x1d1: {  	[tilespmem:s6+$0xC90] =	vst v1  }
0x1d2: {  	[hbm4b:s7+s2] =	stream.linear.scatter [tilespmem:s29], [sflag:$0x4], $0xC800, $0x38;
	[tilespmem:$0x19C80] =	vst v63  }
0x1d3: {  	_ =	swait.ge [sflag:s1], $0xC800  }
0x1d4: {  	s8 =	sld [smem:$0x7F5];
	_ =	sdelay $0x1  }
0x1d5: {  	s5 =	sadd.s32 $0x1, s5  }
0x1d6: {  	p0 =	sne.s32 s5, s8  }
.Ltmp3:
0x1d7: {  	_ = 	snop;
	(pc) =	sbr.rel @p0 .LBB3_1-.Ltmp3, $3  }
0x1d8: {  	_ =	sdelay $0x1  }
0x1d9: {  	[sflag:s1] =	ssyncset.done $0x0  }
0x1da: {  	[sflag:s1] =	ssyncadd.s32 $0xFFFF3800  }
0x1db: {  	_ =	sfence.sel $0x180000  }
0x1dc: {  	[bflag:$0x0] =	sbarrier.arrive $0xFFFF  }
0x1dd: {  	_ =	strace $0x90000047  }
0x1de: {  	s0 =	stileid.u32;
	[bflag:$0x2] =	sbarrier.arrive $0xFFFF  }
0x1df: {  	p0 =	sne.s32 s0, $0x0;
	s0 =	rddreg [dreg:$0xe]  }
0x1e0: {  	s0 =	sadd.s32 @!p0 $0x100000, s0  }
0x1e1: {  	[sflag:s0] =	ssyncadd.tile.s32 @!p0 $0x1;
	_ =	shalt  }
.Lfunc_end3:
_tile_overlayer_lowered:
.L_overlay_start_3:
0x1e2: {  	(tag) =	ssettag $0x3  }
0x1e3: {  	s0 =	rddreg [dreg:$0x0];
	s2 =	stileid.u32  }
0x1e4: {  	s1 =	rddreg [dreg:$0x1];
	p0 =	sne.s32 s2, $0x0  }
0x1e5: {  	s3 =	rddreg [dreg:$0x2];
	[bflag:$0x3] =	sbarrier.arrive $0xFFFF;
	s2 =	simm.s32 @!p0 $0x1C04  }
0x1e6: {  	[timem:s3], [sflag:s2] =	dma.local @!p0 [hbm:s0], s1  }
0x1e7: {  	s0 =	simm.s32 @!p0 $0x4  }
0x1e8: {  	_ =	swait.ge @!p0 [sflag:s0], s1  }
0x1e9: {  	s1 =	ssub.s32 @!p0 $0x0, s1;
	[sflag:s0] =	ssyncset.done @!p0 $0x0  }
0x1ea: {  	[sflag:s0] =	ssyncadd.s32 @!p0 s1  }
0x1eb: {  	[bflag:$0x3] =	sbarrier.arrive $0xFFFF  }
0x1ec: {  	_ =	shalt  }

</sc_bundles>
